<compile_context>
chip_gen: v7x
topology: tpu7x:2x2x1
jax: 0.10.2.dev20260603
libtpu: 0.0.44.dev20260713+nightly
codegen_flags: <defaults>
</compile_context>

<pallas_src>
import functools

import jax
import jax.numpy as jnp
from jax import lax
from jax.experimental import pallas as pl
from jax.experimental.pallas import tpu as pltpu
from jax.experimental.pallas import tpu_sc as plsc

NUM_ENTRIES = 100000
LEARNABLE_SIZE = 4
D = 768
BATCH = 4096
ROW = LEARNABLE_SIZE * D

NC = 2
NS = 16
NW = NC * NS
B_PER_W = BATCH // NW
CHUNK = 8
NCHUNK = B_PER_W // CHUNK
NBUF = 5

_mesh = plsc.VectorSubcoreMesh(core_axis_name="c", subcore_axis_name="s")


@functools.partial(
    pl.kernel,
    mesh=_mesh,
    out_type=jax.ShapeDtypeStruct((BATCH, LEARNABLE_SIZE, D), jnp.float32),
    scratch_types=[
        pltpu.VMEM((B_PER_W,), jnp.int32),
        pltpu.VMEM((NBUF, CHUNK, LEARNABLE_SIZE, D), jnp.float32),
    ]
    + [pltpu.SemaphoreType.DMA] * (2 * NBUF),
)
def _gather_kernel(idx_hbm, table_hbm, out_hbm, idx_v, rows_v, *sems):
    gsems = sems[:NBUF]
    osems = sems[NBUF:]
    wid = lax.axis_index("s") * NC + lax.axis_index("c")
    base = wid * B_PER_W
    pltpu.sync_copy(idx_hbm.at[pl.ds(base, B_PER_W)], idx_v)

    def gather(c, b):
        return pltpu.async_copy(
            table_hbm.at[idx_v.at[pl.ds(c * CHUNK, CHUNK)]], rows_v.at[b],
            gsems[b])

    def out_copy(c, b):
        return pltpu.make_async_copy(
            rows_v.at[b], out_hbm.at[pl.ds(base + c * CHUNK, CHUNK)],
            osems[b])

    for b in range(NBUF):
        gather(b, b)
    for c in range(NCHUNK):
        b = c % NBUF
        pltpu.make_async_copy(
            table_hbm.at[idx_v.at[pl.ds(c * CHUNK, CHUNK)]], rows_v.at[b],
            gsems[b]).wait()
        out_copy(c, b).start()
        m = c + NBUF
        if m < NCHUNK:
            out_copy(c, b).wait()
            gather(m, b)
    for c in range(NCHUNK - NBUF, NCHUNK):
        out_copy(c, c % NBUF).wait()


def kernel(x, learnable_matrix):
    return _gather_kernel(x.astype(jnp.int32), learnable_matrix)

# --- scband reference (transcript-rebuilt; emitter-appended) ---
"""Pipeline reference for scband-textural-inversion-network-29532195127928 (READ-ONLY COPY).

The authoritative reference and input builder live on the scoring server;
editing this copy changes nothing except your own understanding.
"""

import jax, jax.numpy as jnp
import numpy as np

NUM_ENTRIES = 100000
LEARNABLE_SIZE = 4
D = 768
BATCH = 4096

def setup_inputs(seed: int = 0) -> dict:
    key = jax.random.key(seed)
    k_idx, k_tab = jax.random.split(key)
    x = jax.random.randint(k_idx, (BATCH,), 0, NUM_ENTRIES, dtype=jnp.int64 if jax.config.jax_enable_x64 else jnp.int32)
    learnable_matrix = jax.random.normal(k_tab, (NUM_ENTRIES, LEARNABLE_SIZE, D), dtype=jnp.float32)
    return {"x": x, "learnable_matrix": learnable_matrix}

def reference(x, learnable_matrix):
    # TexturalInversionNetwork.get_global_token: simple row gather from the
    # learnable parameter matrix: out[i] = learnable_matrix[x[i]] with shape
    # [B, learnable_size, 768].
    return jnp.take(learnable_matrix, x, axis=0)

if __name__ == "__main__":
    import jax
    _d = setup_inputs()
    print(jax.jit(kernel)(*tuple(_d.values())))

</pallas_src>

<mosaic_0001>
#map = affine_map<(d0, d1) -> (0)>
#map1 = affine_map<(d0, d1) -> (0, 0, 0)>
module attributes {stable_mosaic.version = 14 : i64} {
  func.func @_gather_kernel(%arg0: i32, %arg1: i32, %arg2: memref<4096xi32, #tpu.memory_space<hbm>>, %arg3: memref<100000x4x768xf32, #tpu.memory_space<hbm>>, %arg4: memref<4096x4x768xf32, #tpu.memory_space<hbm>>, %arg5: memref<128xi32, #tpu.memory_space<vmem>>, %arg6: memref<5x8x4x768xf32, #tpu.memory_space<vmem>>, %arg7: memref<!tpu.dma_semaphore, #tpu.memory_space<semaphore_mem>>, %arg8: memref<!tpu.dma_semaphore, #tpu.memory_space<semaphore_mem>>, %arg9: memref<!tpu.dma_semaphore, #tpu.memory_space<semaphore_mem>>, %arg10: memref<!tpu.dma_semaphore, #tpu.memory_space<semaphore_mem>>, %arg11: memref<!tpu.dma_semaphore, #tpu.memory_space<semaphore_mem>>, %arg12: memref<!tpu.dma_semaphore, #tpu.memory_space<semaphore_mem>>, %arg13: memref<!tpu.dma_semaphore, #tpu.memory_space<semaphore_mem>>, %arg14: memref<!tpu.dma_semaphore, #tpu.memory_space<semaphore_mem>>, %arg15: memref<!tpu.dma_semaphore, #tpu.memory_space<semaphore_mem>>, %arg16: memref<!tpu.dma_semaphore, #tpu.memory_space<semaphore_mem>>) attributes {dimension_semantics = [#tpu.dimension_semantics<core_parallel>, #tpu.dimension_semantics<subcore_parallel>], iteration_bounds = array<i64: 2, 16>, scalar_prefetch = 0 : i64, scratch_operands = 12 : i64, tpu.core_type = #tpu.core_type<sc_vector_subcore>, window_params = [{transform_indices = #map}, {transform_indices = #map1}, {transform_indices = #map1}]} {
    %mul3A = arith.constant 2 : i32
    %mul3A_0 = arith.muli %arg1, %mul3A : i32
    %add3A = arith.addi %mul3A_0, %arg0 : i32
    %mul3A_1 = arith.constant 128 : i32
    %mul3A_2 = arith.muli %add3A, %mul3A_1 : i32
    "tpu.region"() ({
      %run_scoped3A = tpu.sem_alloc : memref<!tpu.dma_semaphore, #tpu.memory_space<semaphore_mem>>
      %dma_start3A_993 = tpu.memref_slice %arg2[%mul3A_2] : memref<4096xi32, #tpu.memory_space<hbm>> -> memref<128xi32, #tpu.memory_space<hbm>>
      %dma_start3A_994 = tpu.memref_slice %arg2[%mul3A_2] : memref<4096xi32, #tpu.memory_space<hbm>> -> memref<128xi32, #tpu.memory_space<hbm>>
      tpu.enqueue_dma source(%dma_start3A_994 : memref<128xi32, #tpu.memory_space<hbm>>) target(%arg5 : memref<128xi32, #tpu.memory_space<vmem>>) target_semaphore(%run_scoped3A : memref<!tpu.dma_semaphore, #tpu.memory_space<semaphore_mem>>)
      %dma_wait3A_995 = tpu.memref_slice %arg2[%mul3A_2] : memref<4096xi32, #tpu.memory_space<hbm>> -> memref<128xi32, #tpu.memory_space<hbm>>
      %dma_wait3A_996 = tpu.memref_slice %arg2[%mul3A_2] : memref<4096xi32, #tpu.memory_space<hbm>> -> memref<128xi32, #tpu.memory_space<hbm>>
      tpu.wait_dma2 semaphore(%run_scoped3A : memref<!tpu.dma_semaphore, #tpu.memory_space<semaphore_mem>>) src(%dma_wait3A_996 : memref<128xi32, #tpu.memory_space<hbm>>) dst(%arg5 : memref<128xi32, #tpu.memory_space<vmem>>)
      tpu.yield
    }) : () -> ()
    %dma_start3A = arith.constant 0 : i32
    %dma_start3A_3 = arith.constant 0 : i32
    %dma_start3A_4 = arith.constant 0 : i32
    %dma_start3A_5 = arith.constant 0 : i32
    %dma_start3A_6 = tpu.memref_slice %arg6[%dma_start3A, %dma_start3A_3, %dma_start3A_4, %dma_start3A_5] : memref<5x8x4x768xf32, #tpu.memory_space<vmem>> -> memref<1x8x4x768xf32, #tpu.memory_space<vmem>>
    %dma_start3A_7 = tpu.memref_squeeze %dma_start3A_6 : memref<1x8x4x768xf32, #tpu.memory_space<vmem>> -> memref<8x4x768xf32, #tpu.memory_space<vmem>>
    %dma_start3A_8 = arith.constant 0 : i32
    %dma_start3A_9 = tpu.memref_slice %arg5[%dma_start3A_8] : memref<128xi32, #tpu.memory_space<vmem>> -> memref<8xi32, #tpu.memory_space<vmem>>
    %dma_start3A_10 = arith.constant 0 : i32
    %dma_start3A_11 = arith.constant 0 : i32
    %dma_start3A_12 = arith.constant 0 : i32
    %dma_start3A_13 = tpu.memref_slice %arg3[%dma_start3A_10, %dma_start3A_11, %dma_start3A_12] : memref<100000x4x768xf32, #tpu.memory_space<hbm>> -> memref<100000x4x768xf32, #tpu.memory_space<hbm>>
    tpu.enqueue_indirect_dma source(%dma_start3A_13 : memref<100000x4x768xf32, #tpu.memory_space<hbm>>) target(%dma_start3A_7 : memref<8x4x768xf32, #tpu.memory_space<vmem>>) offsets(%dma_start3A_9 : memref<8xi32, #tpu.memory_space<vmem>>) semaphore(%arg7 : memref<!tpu.dma_semaphore, #tpu.memory_space<semaphore_mem>>)
    %dma_start3A_14 = arith.constant 1 : i32
    %dma_start3A_15 = arith.constant 0 : i32
    %dma_start3A_16 = arith.constant 0 : i32
    %dma_start3A_17 = arith.constant 0 : i32
    %dma_start3A_18 = tpu.memref_slice %arg6[%dma_start3A_14, %dma_start3A_15, %dma_start3A_16, %dma_start3A_17] : memref<5x8x4x768xf32, #tpu.memory_space<vmem>> -> memref<1x8x4x768xf32, #tpu.memory_space<vmem>>
    %dma_start3A_19 = tpu.memref_squeeze %dma_start3A_18 : memref<1x8x4x768xf32, #tpu.memory_space<vmem>> -> memref<8x4x768xf32, #tpu.memory_space<vmem>>
    %dma_start3A_20 = arith.constant 8 : i32
    %dma_start3A_21 = tpu.memref_slice %arg5[%dma_start3A_20] : memref<128xi32, #tpu.memory_space<vmem>> -> memref<8xi32, #tpu.memory_space<vmem>>
    %dma_start3A_22 = arith.constant 0 : i32
    %dma_start3A_23 = arith.constant 0 : i32
    %dma_start3A_24 = arith.constant 0 : i32
    %dma_start3A_25 = tpu.memref_slice %arg3[%dma_start3A_22, %dma_start3A_23, %dma_start3A_24] : memref<100000x4x768xf32, #tpu.memory_space<hbm>> -> memref<100000x4x768xf32, #tpu.memory_space<hbm>>
    tpu.enqueue_indirect_dma source(%dma_start3A_25 : memref<100000x4x768xf32, #tpu.memory_space<hbm>>) target(%dma_start3A_19 : memref<8x4x768xf32, #tpu.memory_space<vmem>>) offsets(%dma_start3A_21 : memref<8xi32, #tpu.memory_space<vmem>>) semaphore(%arg8 : memref<!tpu.dma_semaphore, #tpu.memory_space<semaphore_mem>>)
    %dma_start3A_26 = arith.constant 2 : i32
    %dma_start3A_27 = arith.constant 0 : i32
    %dma_start3A_28 = arith.constant 0 : i32
    %dma_start3A_29 = arith.constant 0 : i32
    %dma_start3A_30 = tpu.memref_slice %arg6[%dma_start3A_26, %dma_start3A_27, %dma_start3A_28, %dma_start3A_29] : memref<5x8x4x768xf32, #tpu.memory_space<vmem>> -> memref<1x8x4x768xf32, #tpu.memory_space<vmem>>
    %dma_start3A_31 = tpu.memref_squeeze %dma_start3A_30 : memref<1x8x4x768xf32, #tpu.memory_space<vmem>> -> memref<8x4x768xf32, #tpu.memory_space<vmem>>
    %dma_start3A_32 = arith.constant 16 : i32
    %dma_start3A_33 = tpu.memref_slice %arg5[%dma_start3A_32] : memref<128xi32, #tpu.memory_space<vmem>> -> memref<8xi32, #tpu.memory_space<vmem>>
    %dma_start3A_34 = arith.constant 0 : i32
    %dma_start3A_35 = arith.constant 0 : i32
    %dma_start3A_36 = arith.constant 0 : i32
    %dma_start3A_37 = tpu.memref_slice %arg3[%dma_start3A_34, %dma_start3A_35, %dma_start3A_36] : memref<100000x4x768xf32, #tpu.memory_space<hbm>> -> memref<100000x4x768xf32, #tpu.memory_space<hbm>>
    tpu.enqueue_indirect_dma source(%dma_start3A_37 : memref<100000x4x768xf32, #tpu.memory_space<hbm>>) target(%dma_start3A_31 : memref<8x4x768xf32, #tpu.memory_space<vmem>>) offsets(%dma_start3A_33 : memref<8xi32, #tpu.memory_space<vmem>>) semaphore(%arg9 : memref<!tpu.dma_semaphore, #tpu.memory_space<semaphore_mem>>)
    %dma_start3A_38 = arith.constant 3 : i32
    %dma_start3A_39 = arith.constant 0 : i32
    %dma_start3A_40 = arith.constant 0 : i32
    %dma_start3A_41 = arith.constant 0 : i32
    %dma_start3A_42 = tpu.memref_slice %arg6[%dma_start3A_38, %dma_start3A_39, %dma_start3A_40, %dma_start3A_41] : memref<5x8x4x768xf32, #tpu.memory_space<vmem>> -> memref<1x8x4x768xf32, #tpu.memory_space<vmem>>
    %dma_start3A_43 = tpu.memref_squeeze %dma_start3A_42 : memref<1x8x4x768xf32, #tpu.memory_space<vmem>> -> memref<8x4x768xf32, #tpu.memory_space<vmem>>
    %dma_start3A_44 = arith.constant 24 : i32
    %dma_start3A_45 = tpu.memref_slice %arg5[%dma_start3A_44] : memref<128xi32, #tpu.memory_space<vmem>> -> memref<8xi32, #tpu.memory_space<vmem>>
    %dma_start3A_46 = arith.constant 0 : i32
    %dma_start3A_47 = arith.constant 0 : i32
    %dma_start3A_48 = arith.constant 0 : i32
    %dma_start3A_49 = tpu.memref_slice %arg3[%dma_start3A_46, %dma_start3A_47, %dma_start3A_48] : memref<100000x4x768xf32, #tpu.memory_space<hbm>> -> memref<100000x4x768xf32, #tpu.memory_space<hbm>>
    tpu.enqueue_indirect_dma source(%dma_start3A_49 : memref<100000x4x768xf32, #tpu.memory_space<hbm>>) target(%dma_start3A_43 : memref<8x4x768xf32, #tpu.memory_space<vmem>>) offsets(%dma_start3A_45 : memref<8xi32, #tpu.memory_space<vmem>>) semaphore(%arg10 : memref<!tpu.dma_semaphore, #tpu.memory_space<semaphore_mem>>)
    %dma_start3A_50 = arith.constant 4 : i32
    %dma_start3A_51 = arith.constant 0 : i32
    %dma_start3A_52 = arith.constant 0 : i32
    %dma_start3A_53 = arith.constant 0 : i32
    %dma_start3A_54 = tpu.memref_slice %arg6[%dma_start3A_50, %dma_start3A_51, %dma_start3A_52, %dma_start3A_53] : memref<5x8x4x768xf32, #tpu.memory_space<vmem>> -> memref<1x8x4x768xf32, #tpu.memory_space<vmem>>
    %dma_start3A_55 = tpu.memref_squeeze %dma_start3A_54 : memref<1x8x4x768xf32, #tpu.memory_space<vmem>> -> memref<8x4x768xf32, #tpu.memory_space<vmem>>
    %dma_start3A_56 = arith.constant 32 : i32
    %dma_start3A_57 = tpu.memref_slice %arg5[%dma_start3A_56] : memref<128xi32, #tpu.memory_space<vmem>> -> memref<8xi32, #tpu.memory_space<vmem>>
    %dma_start3A_58 = arith.constant 0 : i32
    %dma_start3A_59 = arith.constant 0 : i32
    %dma_start3A_60 = arith.constant 0 : i32
    %dma_start3A_61 = tpu.memref_slice %arg3[%dma_start3A_58, %dma_start3A_59, %dma_start3A_60] : memref<100000x4x768xf32, #tpu.memory_space<hbm>> -> memref<100000x4x768xf32, #tpu.memory_space<hbm>>
    tpu.enqueue_indirect_dma source(%dma_start3A_61 : memref<100000x4x768xf32, #tpu.memory_space<hbm>>) target(%dma_start3A_55 : memref<8x4x768xf32, #tpu.memory_space<vmem>>) offsets(%dma_start3A_57 : memref<8xi32, #tpu.memory_space<vmem>>) semaphore(%arg11 : memref<!tpu.dma_semaphore, #tpu.memory_space<semaphore_mem>>)
    %dma_wait3A = arith.constant 0 : i32
    %dma_wait3A_62 = arith.constant 0 : i32
    %dma_wait3A_63 = arith.constant 0 : i32
    %dma_wait3A_64 = arith.constant 0 : i32
    %dma_wait3A_65 = tpu.memref_slice %arg6[%dma_wait3A, %dma_wait3A_62, %dma_wait3A_63, %dma_wait3A_64] : memref<5x8x4x768xf32, #tpu.memory_space<vmem>> -> memref<1x8x4x768xf32, #tpu.memory_space<vmem>>
    %dma_wait3A_66 = tpu.memref_squeeze %dma_wait3A_65 : memref<1x8x4x768xf32, #tpu.memory_space<vmem>> -> memref<8x4x768xf32, #tpu.memory_space<vmem>>
    %dma_wait3A_67 = arith.constant 0 : i32
    %dma_wait3A_68 = tpu.memref_slice %arg5[%dma_wait3A_67] : memref<128xi32, #tpu.memory_space<vmem>> -> memref<8xi32, #tpu.memory_space<vmem>>
    %dma_wait3A_69 = arith.constant 0 : i32
    %dma_wait3A_70 = arith.constant 0 : i32
    %dma_wait3A_71 = arith.constant 0 : i32
    %dma_wait3A_72 = tpu.memref_slice %arg3[%dma_wait3A_69, %dma_wait3A_70, %dma_wait3A_71] : memref<100000x4x768xf32, #tpu.memory_space<hbm>> -> memref<100000x4x768xf32, #tpu.memory_space<hbm>>
    tpu.wait_indirect_dma semaphore(%arg7 : memref<!tpu.dma_semaphore, #tpu.memory_space<semaphore_mem>>) src(%dma_wait3A_72 : memref<100000x4x768xf32, #tpu.memory_space<hbm>>) dst(%dma_wait3A_66 : memref<8x4x768xf32, #tpu.memory_space<vmem>>)
    %add3A_73 = arith.constant 0 : i32
    %add3A_74 = arith.addi %mul3A_2, %add3A_73 : i32
    %dma_start3A_75 = arith.constant 0 : i32
    %dma_start3A_76 = arith.constant 0 : i32
    %dma_start3A_77 = arith.constant 0 : i32
    %dma_start3A_78 = arith.constant 0 : i32
    %dma_start3A_79 = tpu.memref_slice %arg6[%dma_start3A_75, %dma_start3A_76, %dma_start3A_77, %dma_start3A_78] : memref<5x8x4x768xf32, #tpu.memory_space<vmem>> -> memref<1x8x4x768xf32, #tpu.memory_space<vmem>>
    %dma_start3A_80 = tpu.memref_squeeze %dma_start3A_79 : memref<1x8x4x768xf32, #tpu.memory_space<vmem>> -> memref<8x4x768xf32, #tpu.memory_space<vmem>>
    %dma_start3A_81 = arith.constant 0 : i32
    %dma_start3A_82 = arith.constant 0 : i32
    %dma_start3A_83 = tpu.memref_slice %arg4[%add3A_74, %dma_start3A_81, %dma_start3A_82] : memref<4096x4x768xf32, #tpu.memory_space<hbm>> -> memref<8x4x768xf32, #tpu.memory_space<hbm>>
    %dma_start3A_84 = arith.constant 0 : i32
    %dma_start3A_85 = arith.constant 0 : i32
    %dma_start3A_86 = tpu.memref_slice %arg4[%add3A_74, %dma_start3A_84, %dma_start3A_85] : memref<4096x4x768xf32, #tpu.memory_space<hbm>> -> memref<8x4x768xf32, #tpu.memory_space<hbm>>
    %dma_start3A_87 = arith.constant 0 : i32
    %dma_start3A_88 = arith.constant 0 : i32
    %dma_start3A_89 = arith.constant 0 : i32
    %dma_start3A_90 = tpu.memref_slice %arg6[%dma_start3A_75, %dma_start3A_87, %dma_start3A_88, %dma_start3A_89] : memref<5x8x4x768xf32, #tpu.memory_space<vmem>> -> memref<1x8x4x768xf32, #tpu.memory_space<vmem>>
    %dma_start3A_91 = tpu.memref_squeeze %dma_start3A_90 : memref<1x8x4x768xf32, #tpu.memory_space<vmem>> -> memref<8x4x768xf32, #tpu.memory_space<vmem>>
    tpu.enqueue_dma source(%dma_start3A_91 : memref<8x4x768xf32, #tpu.memory_space<vmem>>) target(%dma_start3A_86 : memref<8x4x768xf32, #tpu.memory_space<hbm>>) target_semaphore(%arg12 : memref<!tpu.dma_semaphore, #tpu.memory_space<semaphore_mem>>)
    %add3A_92 = arith.constant 0 : i32
    %add3A_93 = arith.addi %mul3A_2, %add3A_92 : i32
    %dma_wait3A_94 = arith.constant 0 : i32
    %dma_wait3A_95 = arith.constant 0 : i32
    %dma_wait3A_96 = arith.constant 0 : i32
    %dma_wait3A_97 = arith.constant 0 : i32
    %dma_wait3A_98 = tpu.memref_slice %arg6[%dma_wait3A_94, %dma_wait3A_95, %dma_wait3A_96, %dma_wait3A_97] : memref<5x8x4x768xf32, #tpu.memory_space<vmem>> -> memref<1x8x4x768xf32, #tpu.memory_space<vmem>>
    %dma_wait3A_99 = tpu.memref_squeeze %dma_wait3A_98 : memref<1x8x4x768xf32, #tpu.memory_space<vmem>> -> memref<8x4x768xf32, #tpu.memory_space<vmem>>
    %dma_wait3A_100 = arith.constant 0 : i32
    %dma_wait3A_101 = arith.constant 0 : i32
    %dma_wait3A_102 = tpu.memref_slice %arg4[%add3A_93, %dma_wait3A_100, %dma_wait3A_101] : memref<4096x4x768xf32, #tpu.memory_space<hbm>> -> memref<8x4x768xf32, #tpu.memory_space<hbm>>
    %dma_wait3A_103 = arith.constant 0 : i32
    %dma_wait3A_104 = arith.constant 0 : i32
    %dma_wait3A_105 = tpu.memref_slice %arg4[%add3A_93, %dma_wait3A_103, %dma_wait3A_104] : memref<4096x4x768xf32, #tpu.memory_space<hbm>> -> memref<8x4x768xf32, #tpu.memory_space<hbm>>
    %dma_wait3A_106 = arith.constant 0 : i32
    %dma_wait3A_107 = arith.constant 0 : i32
    %dma_wait3A_108 = arith.constant 0 : i32
    %dma_wait3A_109 = tpu.memref_slice %arg6[%dma_wait3A_94, %dma_wait3A_106, %dma_wait3A_107, %dma_wait3A_108] : memref<5x8x4x768xf32, #tpu.memory_space<vmem>> -> memref<1x8x4x768xf32, #tpu.memory_space<vmem>>
    %dma_wait3A_110 = tpu.memref_squeeze %dma_wait3A_109 : memref<1x8x4x768xf32, #tpu.memory_space<vmem>> -> memref<8x4x768xf32, #tpu.memory_space<vmem>>
    tpu.wait_dma2 semaphore(%arg12 : memref<!tpu.dma_semaphore, #tpu.memory_space<semaphore_mem>>) src(%dma_wait3A_110 : memref<8x4x768xf32, #tpu.memory_space<vmem>>) dst(%dma_wait3A_105 : memref<8x4x768xf32, #tpu.memory_space<hbm>>)
    %dma_start3A_111 = arith.constant 0 : i32
    %dma_start3A_112 = arith.constant 0 : i32
    %dma_start3A_113 = arith.constant 0 : i32
    %dma_start3A_114 = arith.constant 0 : i32
    %dma_start3A_115 = tpu.memref_slice %arg6[%dma_start3A_111, %dma_start3A_112, %dma_start3A_113, %dma_start3A_114] : memref<5x8x4x768xf32, #tpu.memory_space<vmem>> -> memref<1x8x4x768xf32, #tpu.memory_space<vmem>>
    %dma_start3A_116 = tpu.memref_squeeze %dma_start3A_115 : memref<1x8x4x768xf32, #tpu.memory_space<vmem>> -> memref<8x4x768xf32, #tpu.memory_space<vmem>>
    %dma_start3A_117 = arith.constant 40 : i32
    %dma_start3A_118 = tpu.memref_slice %arg5[%dma_start3A_117] : memref<128xi32, #tpu.memory_space<vmem>> -> memref<8xi32, #tpu.memory_space<vmem>>
    %dma_start3A_119 = arith.constant 0 : i32
    %dma_start3A_120 = arith.constant 0 : i32
    %dma_start3A_121 = arith.constant 0 : i32
    %dma_start3A_122 = tpu.memref_slice %arg3[%dma_start3A_119, %dma_start3A_120, %dma_start3A_121] : memref<100000x4x768xf32, #tpu.memory_space<hbm>> -> memref<100000x4x768xf32, #tpu.memory_space<hbm>>
    tpu.enqueue_indirect_dma source(%dma_start3A_122 : memref<100000x4x768xf32, #tpu.memory_space<hbm>>) target(%dma_start3A_116 : memref<8x4x768xf32, #tpu.memory_space<vmem>>) offsets(%dma_start3A_118 : memref<8xi32, #tpu.memory_space<vmem>>) semaphore(%arg7 : memref<!tpu.dma_semaphore, #tpu.memory_space<semaphore_mem>>)
    %dma_wait3A_123 = arith.constant 1 : i32
    %dma_wait3A_124 = arith.constant 0 : i32
    %dma_wait3A_125 = arith.constant 0 : i32
    %dma_wait3A_126 = arith.constant 0 : i32
    %dma_wait3A_127 = tpu.memref_slice %arg6[%dma_wait3A_123, %dma_wait3A_124, %dma_wait3A_125, %dma_wait3A_126] : memref<5x8x4x768xf32, #tpu.memory_space<vmem>> -> memref<1x8x4x768xf32, #tpu.memory_space<vmem>>
    %dma_wait3A_128 = tpu.memref_squeeze %dma_wait3A_127 : memref<1x8x4x768xf32, #tpu.memory_space<vmem>> -> memref<8x4x768xf32, #tpu.memory_space<vmem>>
    %dma_wait3A_129 = arith.constant 8 : i32
    %dma_wait3A_130 = tpu.memref_slice %arg5[%dma_wait3A_129] : memref<128xi32, #tpu.memory_space<vmem>> -> memref<8xi32, #tpu.memory_space<vmem>>
    %dma_wait3A_131 = arith.constant 0 : i32
    %dma_wait3A_132 = arith.constant 0 : i32
    %dma_wait3A_133 = arith.constant 0 : i32
    %dma_wait3A_134 = tpu.memref_slice %arg3[%dma_wait3A_131, %dma_wait3A_132, %dma_wait3A_133] : memref<100000x4x768xf32, #tpu.memory_space<hbm>> -> memref<100000x4x768xf32, #tpu.memory_space<hbm>>
    tpu.wait_indirect_dma semaphore(%arg8 : memref<!tpu.dma_semaphore, #tpu.memory_space<semaphore_mem>>) src(%dma_wait3A_134 : memref<100000x4x768xf32, #tpu.memory_space<hbm>>) dst(%dma_wait3A_128 : memref<8x4x768xf32, #tpu.memory_space<vmem>>)
    %add3A_135 = arith.constant 8 : i32
    %add3A_136 = arith.addi %mul3A_2, %add3A_135 : i32
    %dma_start3A_137 = arith.constant 1 : i32
    %dma_start3A_138 = arith.constant 0 : i32
    %dma_start3A_139 = arith.constant 0 : i32
    %dma_start3A_140 = arith.constant 0 : i32
    %dma_start3A_141 = tpu.memref_slice %arg6[%dma_start3A_137, %dma_start3A_138, %dma_start3A_139, %dma_start3A_140] : memref<5x8x4x768xf32, #tpu.memory_space<vmem>> -> memref<1x8x4x768xf32, #tpu.memory_space<vmem>>
    %dma_start3A_142 = tpu.memref_squeeze %dma_start3A_141 : memref<1x8x4x768xf32, #tpu.memory_space<vmem>> -> memref<8x4x768xf32, #tpu.memory_space<vmem>>
    %dma_start3A_143 = arith.constant 0 : i32
    %dma_start3A_144 = arith.constant 0 : i32
    %dma_start3A_145 = tpu.memref_slice %arg4[%add3A_136, %dma_start3A_143, %dma_start3A_144] : memref<4096x4x768xf32, #tpu.memory_space<hbm>> -> memref<8x4x768xf32, #tpu.memory_space<hbm>>
    %dma_start3A_146 = arith.constant 0 : i32
    %dma_start3A_147 = arith.constant 0 : i32
    %dma_start3A_148 = tpu.memref_slice %arg4[%add3A_136, %dma_start3A_146, %dma_start3A_147] : memref<4096x4x768xf32, #tpu.memory_space<hbm>> -> memref<8x4x768xf32, #tpu.memory_space<hbm>>
    %dma_start3A_149 = arith.constant 0 : i32
    %dma_start3A_150 = arith.constant 0 : i32
    %dma_start3A_151 = arith.constant 0 : i32
    %dma_start3A_152 = tpu.memref_slice %arg6[%dma_start3A_137, %dma_start3A_149, %dma_start3A_150, %dma_start3A_151] : memref<5x8x4x768xf32, #tpu.memory_space<vmem>> -> memref<1x8x4x768xf32, #tpu.memory_space<vmem>>
    %dma_start3A_153 = tpu.memref_squeeze %dma_start3A_152 : memref<1x8x4x768xf32, #tpu.memory_space<vmem>> -> memref<8x4x768xf32, #tpu.memory_space<vmem>>
    tpu.enqueue_dma source(%dma_start3A_153 : memref<8x4x768xf32, #tpu.memory_space<vmem>>) target(%dma_start3A_148 : memref<8x4x768xf32, #tpu.memory_space<hbm>>) target_semaphore(%arg13 : memref<!tpu.dma_semaphore, #tpu.memory_space<semaphore_mem>>)
    %add3A_154 = arith.constant 8 : i32
    %add3A_155 = arith.addi %mul3A_2, %add3A_154 : i32
    %dma_wait3A_156 = arith.constant 1 : i32
    %dma_wait3A_157 = arith.constant 0 : i32
    %dma_wait3A_158 = arith.constant 0 : i32
    %dma_wait3A_159 = arith.constant 0 : i32
    %dma_wait3A_160 = tpu.memref_slice %arg6[%dma_wait3A_156, %dma_wait3A_157, %dma_wait3A_158, %dma_wait3A_159] : memref<5x8x4x768xf32, #tpu.memory_space<vmem>> -> memref<1x8x4x768xf32, #tpu.memory_space<vmem>>
    %dma_wait3A_161 = tpu.memref_squeeze %dma_wait3A_160 : memref<1x8x4x768xf32, #tpu.memory_space<vmem>> -> memref<8x4x768xf32, #tpu.memory_space<vmem>>
    %dma_wait3A_162 = arith.constant 0 : i32
    %dma_wait3A_163 = arith.constant 0 : i32
    %dma_wait3A_164 = tpu.memref_slice %arg4[%add3A_155, %dma_wait3A_162, %dma_wait3A_163] : memref<4096x4x768xf32, #tpu.memory_space<hbm>> -> memref<8x4x768xf32, #tpu.memory_space<hbm>>
    %dma_wait3A_165 = arith.constant 0 : i32
    %dma_wait3A_166 = arith.constant 0 : i32
    %dma_wait3A_167 = tpu.memref_slice %arg4[%add3A_155, %dma_wait3A_165, %dma_wait3A_166] : memref<4096x4x768xf32, #tpu.memory_space<hbm>> -> memref<8x4x768xf32, #tpu.memory_space<hbm>>
    %dma_wait3A_168 = arith.constant 0 : i32
    %dma_wait3A_169 = arith.constant 0 : i32
    %dma_wait3A_170 = arith.constant 0 : i32
    %dma_wait3A_171 = tpu.memref_slice %arg6[%dma_wait3A_156, %dma_wait3A_168, %dma_wait3A_169, %dma_wait3A_170] : memref<5x8x4x768xf32, #tpu.memory_space<vmem>> -> memref<1x8x4x768xf32, #tpu.memory_space<vmem>>
    %dma_wait3A_172 = tpu.memref_squeeze %dma_wait3A_171 : memref<1x8x4x768xf32, #tpu.memory_space<vmem>> -> memref<8x4x768xf32, #tpu.memory_space<vmem>>
    tpu.wait_dma2 semaphore(%arg13 : memref<!tpu.dma_semaphore, #tpu.memory_space<semaphore_mem>>) src(%dma_wait3A_172 : memref<8x4x768xf32, #tpu.memory_space<vmem>>) dst(%dma_wait3A_167 : memref<8x4x768xf32, #tpu.memory_space<hbm>>)
    %dma_start3A_173 = arith.constant 1 : i32
    %dma_start3A_174 = arith.constant 0 : i32
    %dma_start3A_175 = arith.constant 0 : i32
    %dma_start3A_176 = arith.constant 0 : i32
    %dma_start3A_177 = tpu.memref_slice %arg6[%dma_start3A_173, %dma_start3A_174, %dma_start3A_175, %dma_start3A_176] : memref<5x8x4x768xf32, #tpu.memory_space<vmem>> -> memref<1x8x4x768xf32, #tpu.memory_space<vmem>>
    %dma_start3A_178 = tpu.memref_squeeze %dma_start3A_177 : memref<1x8x4x768xf32, #tpu.memory_space<vmem>> -> memref<8x4x768xf32, #tpu.memory_space<vmem>>
    %dma_start3A_179 = arith.constant 48 : i32
    %dma_start3A_180 = tpu.memref_slice %arg5[%dma_start3A_179] : memref<128xi32, #tpu.memory_space<vmem>> -> memref<8xi32, #tpu.memory_space<vmem>>
    %dma_start3A_181 = arith.constant 0 : i32
    %dma_start3A_182 = arith.constant 0 : i32
    %dma_start3A_183 = arith.constant 0 : i32
    %dma_start3A_184 = tpu.memref_slice %arg3[%dma_start3A_181, %dma_start3A_182, %dma_start3A_183] : memref<100000x4x768xf32, #tpu.memory_space<hbm>> -> memref<100000x4x768xf32, #tpu.memory_space<hbm>>
    tpu.enqueue_indirect_dma source(%dma_start3A_184 : memref<100000x4x768xf32, #tpu.memory_space<hbm>>) target(%dma_start3A_178 : memref<8x4x768xf32, #tpu.memory_space<vmem>>) offsets(%dma_start3A_180 : memref<8xi32, #tpu.memory_space<vmem>>) semaphore(%arg8 : memref<!tpu.dma_semaphore, #tpu.memory_space<semaphore_mem>>)
    %dma_wait3A_185 = arith.constant 2 : i32
    %dma_wait3A_186 = arith.constant 0 : i32
    %dma_wait3A_187 = arith.constant 0 : i32
    %dma_wait3A_188 = arith.constant 0 : i32
    %dma_wait3A_189 = tpu.memref_slice %arg6[%dma_wait3A_185, %dma_wait3A_186, %dma_wait3A_187, %dma_wait3A_188] : memref<5x8x4x768xf32, #tpu.memory_space<vmem>> -> memref<1x8x4x768xf32, #tpu.memory_space<vmem>>
    %dma_wait3A_190 = tpu.memref_squeeze %dma_wait3A_189 : memref<1x8x4x768xf32, #tpu.memory_space<vmem>> -> memref<8x4x768xf32, #tpu.memory_space<vmem>>
    %dma_wait3A_191 = arith.constant 16 : i32
    %dma_wait3A_192 = tpu.memref_slice %arg5[%dma_wait3A_191] : memref<128xi32, #tpu.memory_space<vmem>> -> memref<8xi32, #tpu.memory_space<vmem>>
    %dma_wait3A_193 = arith.constant 0 : i32
    %dma_wait3A_194 = arith.constant 0 : i32
    %dma_wait3A_195 = arith.constant 0 : i32
    %dma_wait3A_196 = tpu.memref_slice %arg3[%dma_wait3A_193, %dma_wait3A_194, %dma_wait3A_195] : memref<100000x4x768xf32, #tpu.memory_space<hbm>> -> memref<100000x4x768xf32, #tpu.memory_space<hbm>>
    tpu.wait_indirect_dma semaphore(%arg9 : memref<!tpu.dma_semaphore, #tpu.memory_space<semaphore_mem>>) src(%dma_wait3A_196 : memref<100000x4x768xf32, #tpu.memory_space<hbm>>) dst(%dma_wait3A_190 : memref<8x4x768xf32, #tpu.memory_space<vmem>>)
    %add3A_197 = arith.constant 16 : i32
    %add3A_198 = arith.addi %mul3A_2, %add3A_197 : i32
    %dma_start3A_199 = arith.constant 2 : i32
    %dma_start3A_200 = arith.constant 0 : i32
    %dma_start3A_201 = arith.constant 0 : i32
    %dma_start3A_202 = arith.constant 0 : i32
    %dma_start3A_203 = tpu.memref_slice %arg6[%dma_start3A_199, %dma_start3A_200, %dma_start3A_201, %dma_start3A_202] : memref<5x8x4x768xf32, #tpu.memory_space<vmem>> -> memref<1x8x4x768xf32, #tpu.memory_space<vmem>>
    %dma_start3A_204 = tpu.memref_squeeze %dma_start3A_203 : memref<1x8x4x768xf32, #tpu.memory_space<vmem>> -> memref<8x4x768xf32, #tpu.memory_space<vmem>>
    %dma_start3A_205 = arith.constant 0 : i32
    %dma_start3A_206 = arith.constant 0 : i32
    %dma_start3A_207 = tpu.memref_slice %arg4[%add3A_198, %dma_start3A_205, %dma_start3A_206] : memref<4096x4x768xf32, #tpu.memory_space<hbm>> -> memref<8x4x768xf32, #tpu.memory_space<hbm>>
    %dma_start3A_208 = arith.constant 0 : i32
    %dma_start3A_209 = arith.constant 0 : i32
    %dma_start3A_210 = tpu.memref_slice %arg4[%add3A_198, %dma_start3A_208, %dma_start3A_209] : memref<4096x4x768xf32, #tpu.memory_space<hbm>> -> memref<8x4x768xf32, #tpu.memory_space<hbm>>
    %dma_start3A_211 = arith.constant 0 : i32
    %dma_start3A_212 = arith.constant 0 : i32
    %dma_start3A_213 = arith.constant 0 : i32
    %dma_start3A_214 = tpu.memref_slice %arg6[%dma_start3A_199, %dma_start3A_211, %dma_start3A_212, %dma_start3A_213] : memref<5x8x4x768xf32, #tpu.memory_space<vmem>> -> memref<1x8x4x768xf32, #tpu.memory_space<vmem>>
    %dma_start3A_215 = tpu.memref_squeeze %dma_start3A_214 : memref<1x8x4x768xf32, #tpu.memory_space<vmem>> -> memref<8x4x768xf32, #tpu.memory_space<vmem>>
    tpu.enqueue_dma source(%dma_start3A_215 : memref<8x4x768xf32, #tpu.memory_space<vmem>>) target(%dma_start3A_210 : memref<8x4x768xf32, #tpu.memory_space<hbm>>) target_semaphore(%arg14 : memref<!tpu.dma_semaphore, #tpu.memory_space<semaphore_mem>>)
    %add3A_216 = arith.constant 16 : i32
    %add3A_217 = arith.addi %mul3A_2, %add3A_216 : i32
    %dma_wait3A_218 = arith.constant 2 : i32
    %dma_wait3A_219 = arith.constant 0 : i32
    %dma_wait3A_220 = arith.constant 0 : i32
    %dma_wait3A_221 = arith.constant 0 : i32
    %dma_wait3A_222 = tpu.memref_slice %arg6[%dma_wait3A_218, %dma_wait3A_219, %dma_wait3A_220, %dma_wait3A_221] : memref<5x8x4x768xf32, #tpu.memory_space<vmem>> -> memref<1x8x4x768xf32, #tpu.memory_space<vmem>>
    %dma_wait3A_223 = tpu.memref_squeeze %dma_wait3A_222 : memref<1x8x4x768xf32, #tpu.memory_space<vmem>> -> memref<8x4x768xf32, #tpu.memory_space<vmem>>
    %dma_wait3A_224 = arith.constant 0 : i32
    %dma_wait3A_225 = arith.constant 0 : i32
    %dma_wait3A_226 = tpu.memref_slice %arg4[%add3A_217, %dma_wait3A_224, %dma_wait3A_225] : memref<4096x4x768xf32, #tpu.memory_space<hbm>> -> memref<8x4x768xf32, #tpu.memory_space<hbm>>
    %dma_wait3A_227 = arith.constant 0 : i32
    %dma_wait3A_228 = arith.constant 0 : i32
    %dma_wait3A_229 = tpu.memref_slice %arg4[%add3A_217, %dma_wait3A_227, %dma_wait3A_228] : memref<4096x4x768xf32, #tpu.memory_space<hbm>> -> memref<8x4x768xf32, #tpu.memory_space<hbm>>
    %dma_wait3A_230 = arith.constant 0 : i32
    %dma_wait3A_231 = arith.constant 0 : i32
    %dma_wait3A_232 = arith.constant 0 : i32
    %dma_wait3A_233 = tpu.memref_slice %arg6[%dma_wait3A_218, %dma_wait3A_230, %dma_wait3A_231, %dma_wait3A_232] : memref<5x8x4x768xf32, #tpu.memory_space<vmem>> -> memref<1x8x4x768xf32, #tpu.memory_space<vmem>>
    %dma_wait3A_234 = tpu.memref_squeeze %dma_wait3A_233 : memref<1x8x4x768xf32, #tpu.memory_space<vmem>> -> memref<8x4x768xf32, #tpu.memory_space<vmem>>
    tpu.wait_dma2 semaphore(%arg14 : memref<!tpu.dma_semaphore, #tpu.memory_space<semaphore_mem>>) src(%dma_wait3A_234 : memref<8x4x768xf32, #tpu.memory_space<vmem>>) dst(%dma_wait3A_229 : memref<8x4x768xf32, #tpu.memory_space<hbm>>)
    %dma_start3A_235 = arith.constant 2 : i32
    %dma_start3A_236 = arith.constant 0 : i32
    %dma_start3A_237 = arith.constant 0 : i32
    %dma_start3A_238 = arith.constant 0 : i32
    %dma_start3A_239 = tpu.memref_slice %arg6[%dma_start3A_235, %dma_start3A_236, %dma_start3A_237, %dma_start3A_238] : memref<5x8x4x768xf32, #tpu.memory_space<vmem>> -> memref<1x8x4x768xf32, #tpu.memory_space<vmem>>
    %dma_start3A_240 = tpu.memref_squeeze %dma_start3A_239 : memref<1x8x4x768xf32, #tpu.memory_space<vmem>> -> memref<8x4x768xf32, #tpu.memory_space<vmem>>
    %dma_start3A_241 = arith.constant 56 : i32
    %dma_start3A_242 = tpu.memref_slice %arg5[%dma_start3A_241] : memref<128xi32, #tpu.memory_space<vmem>> -> memref<8xi32, #tpu.memory_space<vmem>>
    %dma_start3A_243 = arith.constant 0 : i32
    %dma_start3A_244 = arith.constant 0 : i32
    %dma_start3A_245 = arith.constant 0 : i32
    %dma_start3A_246 = tpu.memref_slice %arg3[%dma_start3A_243, %dma_start3A_244, %dma_start3A_245] : memref<100000x4x768xf32, #tpu.memory_space<hbm>> -> memref<100000x4x768xf32, #tpu.memory_space<hbm>>
    tpu.enqueue_indirect_dma source(%dma_start3A_246 : memref<100000x4x768xf32, #tpu.memory_space<hbm>>) target(%dma_start3A_240 : memref<8x4x768xf32, #tpu.memory_space<vmem>>) offsets(%dma_start3A_242 : memref<8xi32, #tpu.memory_space<vmem>>) semaphore(%arg9 : memref<!tpu.dma_semaphore, #tpu.memory_space<semaphore_mem>>)
    %dma_wait3A_247 = arith.constant 3 : i32
    %dma_wait3A_248 = arith.constant 0 : i32
    %dma_wait3A_249 = arith.constant 0 : i32
    %dma_wait3A_250 = arith.constant 0 : i32
    %dma_wait3A_251 = tpu.memref_slice %arg6[%dma_wait3A_247, %dma_wait3A_248, %dma_wait3A_249, %dma_wait3A_250] : memref<5x8x4x768xf32, #tpu.memory_space<vmem>> -> memref<1x8x4x768xf32, #tpu.memory_space<vmem>>
    %dma_wait3A_252 = tpu.memref_squeeze %dma_wait3A_251 : memref<1x8x4x768xf32, #tpu.memory_space<vmem>> -> memref<8x4x768xf32, #tpu.memory_space<vmem>>
    %dma_wait3A_253 = arith.constant 24 : i32
    %dma_wait3A_254 = tpu.memref_slice %arg5[%dma_wait3A_253] : memref<128xi32, #tpu.memory_space<vmem>> -> memref<8xi32, #tpu.memory_space<vmem>>
    %dma_wait3A_255 = arith.constant 0 : i32
    %dma_wait3A_256 = arith.constant 0 : i32
    %dma_wait3A_257 = arith.constant 0 : i32
    %dma_wait3A_258 = tpu.memref_slice %arg3[%dma_wait3A_255, %dma_wait3A_256, %dma_wait3A_257] : memref<100000x4x768xf32, #tpu.memory_space<hbm>> -> memref<100000x4x768xf32, #tpu.memory_space<hbm>>
    tpu.wait_indirect_dma semaphore(%arg10 : memref<!tpu.dma_semaphore, #tpu.memory_space<semaphore_mem>>) src(%dma_wait3A_258 : memref<100000x4x768xf32, #tpu.memory_space<hbm>>) dst(%dma_wait3A_252 : memref<8x4x768xf32, #tpu.memory_space<vmem>>)
    %add3A_259 = arith.constant 24 : i32
    %add3A_260 = arith.addi %mul3A_2, %add3A_259 : i32
    %dma_start3A_261 = arith.constant 3 : i32
    %dma_start3A_262 = arith.constant 0 : i32
    %dma_start3A_263 = arith.constant 0 : i32
    %dma_start3A_264 = arith.constant 0 : i32
    %dma_start3A_265 = tpu.memref_slice %arg6[%dma_start3A_261, %dma_start3A_262, %dma_start3A_263, %dma_start3A_264] : memref<5x8x4x768xf32, #tpu.memory_space<vmem>> -> memref<1x8x4x768xf32, #tpu.memory_space<vmem>>
    %dma_start3A_266 = tpu.memref_squeeze %dma_start3A_265 : memref<1x8x4x768xf32, #tpu.memory_space<vmem>> -> memref<8x4x768xf32, #tpu.memory_space<vmem>>
    %dma_start3A_267 = arith.constant 0 : i32
    %dma_start3A_268 = arith.constant 0 : i32
    %dma_start3A_269 = tpu.memref_slice %arg4[%add3A_260, %dma_start3A_267, %dma_start3A_268] : memref<4096x4x768xf32, #tpu.memory_space<hbm>> -> memref<8x4x768xf32, #tpu.memory_space<hbm>>
    %dma_start3A_270 = arith.constant 0 : i32
    %dma_start3A_271 = arith.constant 0 : i32
    %dma_start3A_272 = tpu.memref_slice %arg4[%add3A_260, %dma_start3A_270, %dma_start3A_271] : memref<4096x4x768xf32, #tpu.memory_space<hbm>> -> memref<8x4x768xf32, #tpu.memory_space<hbm>>
    %dma_start3A_273 = arith.constant 0 : i32
    %dma_start3A_274 = arith.constant 0 : i32
    %dma_start3A_275 = arith.constant 0 : i32
    %dma_start3A_276 = tpu.memref_slice %arg6[%dma_start3A_261, %dma_start3A_273, %dma_start3A_274, %dma_start3A_275] : memref<5x8x4x768xf32, #tpu.memory_space<vmem>> -> memref<1x8x4x768xf32, #tpu.memory_space<vmem>>
    %dma_start3A_277 = tpu.memref_squeeze %dma_start3A_276 : memref<1x8x4x768xf32, #tpu.memory_space<vmem>> -> memref<8x4x768xf32, #tpu.memory_space<vmem>>
    tpu.enqueue_dma source(%dma_start3A_277 : memref<8x4x768xf32, #tpu.memory_space<vmem>>) target(%dma_start3A_272 : memref<8x4x768xf32, #tpu.memory_space<hbm>>) target_semaphore(%arg15 : memref<!tpu.dma_semaphore, #tpu.memory_space<semaphore_mem>>)
    %add3A_278 = arith.constant 24 : i32
    %add3A_279 = arith.addi %mul3A_2, %add3A_278 : i32
    %dma_wait3A_280 = arith.constant 3 : i32
    %dma_wait3A_281 = arith.constant 0 : i32
    %dma_wait3A_282 = arith.constant 0 : i32
    %dma_wait3A_283 = arith.constant 0 : i32
    %dma_wait3A_284 = tpu.memref_slice %arg6[%dma_wait3A_280, %dma_wait3A_281, %dma_wait3A_282, %dma_wait3A_283] : memref<5x8x4x768xf32, #tpu.memory_space<vmem>> -> memref<1x8x4x768xf32, #tpu.memory_space<vmem>>
    %dma_wait3A_285 = tpu.memref_squeeze %dma_wait3A_284 : memref<1x8x4x768xf32, #tpu.memory_space<vmem>> -> memref<8x4x768xf32, #tpu.memory_space<vmem>>
    %dma_wait3A_286 = arith.constant 0 : i32
    %dma_wait3A_287 = arith.constant 0 : i32
    %dma_wait3A_288 = tpu.memref_slice %arg4[%add3A_279, %dma_wait3A_286, %dma_wait3A_287] : memref<4096x4x768xf32, #tpu.memory_space<hbm>> -> memref<8x4x768xf32, #tpu.memory_space<hbm>>
    %dma_wait3A_289 = arith.constant 0 : i32
    %dma_wait3A_290 = arith.constant 0 : i32
    %dma_wait3A_291 = tpu.memref_slice %arg4[%add3A_279, %dma_wait3A_289, %dma_wait3A_290] : memref<4096x4x768xf32, #tpu.memory_space<hbm>> -> memref<8x4x768xf32, #tpu.memory_space<hbm>>
    %dma_wait3A_292 = arith.constant 0 : i32
    %dma_wait3A_293 = arith.constant 0 : i32
    %dma_wait3A_294 = arith.constant 0 : i32
    %dma_wait3A_295 = tpu.memref_slice %arg6[%dma_wait3A_280, %dma_wait3A_292, %dma_wait3A_293, %dma_wait3A_294] : memref<5x8x4x768xf32, #tpu.memory_space<vmem>> -> memref<1x8x4x768xf32, #tpu.memory_space<vmem>>
    %dma_wait3A_296 = tpu.memref_squeeze %dma_wait3A_295 : memref<1x8x4x768xf32, #tpu.memory_space<vmem>> -> memref<8x4x768xf32, #tpu.memory_space<vmem>>
    tpu.wait_dma2 semaphore(%arg15 : memref<!tpu.dma_semaphore, #tpu.memory_space<semaphore_mem>>) src(%dma_wait3A_296 : memref<8x4x768xf32, #tpu.memory_space<vmem>>) dst(%dma_wait3A_291 : memref<8x4x768xf32, #tpu.memory_space<hbm>>)
    %dma_start3A_297 = arith.constant 3 : i32
    %dma_start3A_298 = arith.constant 0 : i32
    %dma_start3A_299 = arith.constant 0 : i32
    %dma_start3A_300 = arith.constant 0 : i32
    %dma_start3A_301 = tpu.memref_slice %arg6[%dma_start3A_297, %dma_start3A_298, %dma_start3A_299, %dma_start3A_300] : memref<5x8x4x768xf32, #tpu.memory_space<vmem>> -> memref<1x8x4x768xf32, #tpu.memory_space<vmem>>
    %dma_start3A_302 = tpu.memref_squeeze %dma_start3A_301 : memref<1x8x4x768xf32, #tpu.memory_space<vmem>> -> memref<8x4x768xf32, #tpu.memory_space<vmem>>
    %dma_start3A_303 = arith.constant 64 : i32
    %dma_start3A_304 = tpu.memref_slice %arg5[%dma_start3A_303] : memref<128xi32, #tpu.memory_space<vmem>> -> memref<8xi32, #tpu.memory_space<vmem>>
    %dma_start3A_305 = arith.constant 0 : i32
    %dma_start3A_306 = arith.constant 0 : i32
    %dma_start3A_307 = arith.constant 0 : i32
    %dma_start3A_308 = tpu.memref_slice %arg3[%dma_start3A_305, %dma_start3A_306, %dma_start3A_307] : memref<100000x4x768xf32, #tpu.memory_space<hbm>> -> memref<100000x4x768xf32, #tpu.memory_space<hbm>>
    tpu.enqueue_indirect_dma source(%dma_start3A_308 : memref<100000x4x768xf32, #tpu.memory_space<hbm>>) target(%dma_start3A_302 : memref<8x4x768xf32, #tpu.memory_space<vmem>>) offsets(%dma_start3A_304 : memref<8xi32, #tpu.memory_space<vmem>>) semaphore(%arg10 : memref<!tpu.dma_semaphore, #tpu.memory_space<semaphore_mem>>)
    %dma_wait3A_309 = arith.constant 4 : i32
    %dma_wait3A_310 = arith.constant 0 : i32
    %dma_wait3A_311 = arith.constant 0 : i32
    %dma_wait3A_312 = arith.constant 0 : i32
    %dma_wait3A_313 = tpu.memref_slice %arg6[%dma_wait3A_309, %dma_wait3A_310, %dma_wait3A_311, %dma_wait3A_312] : memref<5x8x4x768xf32, #tpu.memory_space<vmem>> -> memref<1x8x4x768xf32, #tpu.memory_space<vmem>>
    %dma_wait3A_314 = tpu.memref_squeeze %dma_wait3A_313 : memref<1x8x4x768xf32, #tpu.memory_space<vmem>> -> memref<8x4x768xf32, #tpu.memory_space<vmem>>
    %dma_wait3A_315 = arith.constant 32 : i32
    %dma_wait3A_316 = tpu.memref_slice %arg5[%dma_wait3A_315] : memref<128xi32, #tpu.memory_space<vmem>> -> memref<8xi32, #tpu.memory_space<vmem>>
    %dma_wait3A_317 = arith.constant 0 : i32
    %dma_wait3A_318 = arith.constant 0 : i32
    %dma_wait3A_319 = arith.constant 0 : i32
    %dma_wait3A_320 = tpu.memref_slice %arg3[%dma_wait3A_317, %dma_wait3A_318, %dma_wait3A_319] : memref<100000x4x768xf32, #tpu.memory_space<hbm>> -> memref<100000x4x768xf32, #tpu.memory_space<hbm>>
    tpu.wait_indirect_dma semaphore(%arg11 : memref<!tpu.dma_semaphore, #tpu.memory_space<semaphore_mem>>) src(%dma_wait3A_320 : memref<100000x4x768xf32, #tpu.memory_space<hbm>>) dst(%dma_wait3A_314 : memref<8x4x768xf32, #tpu.memory_space<vmem>>)
    %add3A_321 = arith.constant 32 : i32
    %add3A_322 = arith.addi %mul3A_2, %add3A_321 : i32
    %dma_start3A_323 = arith.constant 4 : i32
    %dma_start3A_324 = arith.constant 0 : i32
    %dma_start3A_325 = arith.constant 0 : i32
    %dma_start3A_326 = arith.constant 0 : i32
    %dma_start3A_327 = tpu.memref_slice %arg6[%dma_start3A_323, %dma_start3A_324, %dma_start3A_325, %dma_start3A_326] : memref<5x8x4x768xf32, #tpu.memory_space<vmem>> -> memref<1x8x4x768xf32, #tpu.memory_space<vmem>>
    %dma_start3A_328 = tpu.memref_squeeze %dma_start3A_327 : memref<1x8x4x768xf32, #tpu.memory_space<vmem>> -> memref<8x4x768xf32, #tpu.memory_space<vmem>>
    %dma_start3A_329 = arith.constant 0 : i32
    %dma_start3A_330 = arith.constant 0 : i32
    %dma_start3A_331 = tpu.memref_slice %arg4[%add3A_322, %dma_start3A_329, %dma_start3A_330] : memref<4096x4x768xf32, #tpu.memory_space<hbm>> -> memref<8x4x768xf32, #tpu.memory_space<hbm>>
    %dma_start3A_332 = arith.constant 0 : i32
    %dma_start3A_333 = arith.constant 0 : i32
    %dma_start3A_334 = tpu.memref_slice %arg4[%add3A_322, %dma_start3A_332, %dma_start3A_333] : memref<4096x4x768xf32, #tpu.memory_space<hbm>> -> memref<8x4x768xf32, #tpu.memory_space<hbm>>
    %dma_start3A_335 = arith.constant 0 : i32
    %dma_start3A_336 = arith.constant 0 : i32
    %dma_start3A_337 = arith.constant 0 : i32
    %dma_start3A_338 = tpu.memref_slice %arg6[%dma_start3A_323, %dma_start3A_335, %dma_start3A_336, %dma_start3A_337] : memref<5x8x4x768xf32, #tpu.memory_space<vmem>> -> memref<1x8x4x768xf32, #tpu.memory_space<vmem>>
    %dma_start3A_339 = tpu.memref_squeeze %dma_start3A_338 : memref<1x8x4x768xf32, #tpu.memory_space<vmem>> -> memref<8x4x768xf32, #tpu.memory_space<vmem>>
    tpu.enqueue_dma source(%dma_start3A_339 : memref<8x4x768xf32, #tpu.memory_space<vmem>>) target(%dma_start3A_334 : memref<8x4x768xf32, #tpu.memory_space<hbm>>) target_semaphore(%arg16 : memref<!tpu.dma_semaphore, #tpu.memory_space<semaphore_mem>>)
    %add3A_340 = arith.constant 32 : i32
    %add3A_341 = arith.addi %mul3A_2, %add3A_340 : i32
    %dma_wait3A_342 = arith.constant 4 : i32
    %dma_wait3A_343 = arith.constant 0 : i32
    %dma_wait3A_344 = arith.constant 0 : i32
    %dma_wait3A_345 = arith.constant 0 : i32
    %dma_wait3A_346 = tpu.memref_slice %arg6[%dma_wait3A_342, %dma_wait3A_343, %dma_wait3A_344, %dma_wait3A_345] : memref<5x8x4x768xf32, #tpu.memory_space<vmem>> -> memref<1x8x4x768xf32, #tpu.memory_space<vmem>>
    %dma_wait3A_347 = tpu.memref_squeeze %dma_wait3A_346 : memref<1x8x4x768xf32, #tpu.memory_space<vmem>> -> memref<8x4x768xf32, #tpu.memory_space<vmem>>
    %dma_wait3A_348 = arith.constant 0 : i32
    %dma_wait3A_349 = arith.constant 0 : i32
    %dma_wait3A_350 = tpu.memref_slice %arg4[%add3A_341, %dma_wait3A_348, %dma_wait3A_349] : memref<4096x4x768xf32, #tpu.memory_space<hbm>> -> memref<8x4x768xf32, #tpu.memory_space<hbm>>
    %dma_wait3A_351 = arith.constant 0 : i32
    %dma_wait3A_352 = arith.constant 0 : i32
    %dma_wait3A_353 = tpu.memref_slice %arg4[%add3A_341, %dma_wait3A_351, %dma_wait3A_352] : memref<4096x4x768xf32, #tpu.memory_space<hbm>> -> memref<8x4x768xf32, #tpu.memory_space<hbm>>
    %dma_wait3A_354 = arith.constant 0 : i32
    %dma_wait3A_355 = arith.constant 0 : i32
    %dma_wait3A_356 = arith.constant 0 : i32
    %dma_wait3A_357 = tpu.memref_slice %arg6[%dma_wait3A_342, %dma_wait3A_354, %dma_wait3A_355, %dma_wait3A_356] : memref<5x8x4x768xf32, #tpu.memory_space<vmem>> -> memref<1x8x4x768xf32, #tpu.memory_space<vmem>>
    %dma_wait3A_358 = tpu.memref_squeeze %dma_wait3A_357 : memref<1x8x4x768xf32, #tpu.memory_space<vmem>> -> memref<8x4x768xf32, #tpu.memory_space<vmem>>
    tpu.wait_dma2 semaphore(%arg16 : memref<!tpu.dma_semaphore, #tpu.memory_space<semaphore_mem>>) src(%dma_wait3A_358 : memref<8x4x768xf32, #tpu.memory_space<vmem>>) dst(%dma_wait3A_353 : memref<8x4x768xf32, #tpu.memory_space<hbm>>)
    %dma_start3A_359 = arith.constant 4 : i32
    %dma_start3A_360 = arith.constant 0 : i32
    %dma_start3A_361 = arith.constant 0 : i32
    %dma_start3A_362 = arith.constant 0 : i32
    %dma_start3A_363 = tpu.memref_slice %arg6[%dma_start3A_359, %dma_start3A_360, %dma_start3A_361, %dma_start3A_362] : memref<5x8x4x768xf32, #tpu.memory_space<vmem>> -> memref<1x8x4x768xf32, #tpu.memory_space<vmem>>
    %dma_start3A_364 = tpu.memref_squeeze %dma_start3A_363 : memref<1x8x4x768xf32, #tpu.memory_space<vmem>> -> memref<8x4x768xf32, #tpu.memory_space<vmem>>
    %dma_start3A_365 = arith.constant 72 : i32
    %dma_start3A_366 = tpu.memref_slice %arg5[%dma_start3A_365] : memref<128xi32, #tpu.memory_space<vmem>> -> memref<8xi32, #tpu.memory_space<vmem>>
    %dma_start3A_367 = arith.constant 0 : i32
    %dma_start3A_368 = arith.constant 0 : i32
    %dma_start3A_369 = arith.constant 0 : i32
    %dma_start3A_370 = tpu.memref_slice %arg3[%dma_start3A_367, %dma_start3A_368, %dma_start3A_369] : memref<100000x4x768xf32, #tpu.memory_space<hbm>> -> memref<100000x4x768xf32, #tpu.memory_space<hbm>>
    tpu.enqueue_indirect_dma source(%dma_start3A_370 : memref<100000x4x768xf32, #tpu.memory_space<hbm>>) target(%dma_start3A_364 : memref<8x4x768xf32, #tpu.memory_space<vmem>>) offsets(%dma_start3A_366 : memref<8xi32, #tpu.memory_space<vmem>>) semaphore(%arg11 : memref<!tpu.dma_semaphore, #tpu.memory_space<semaphore_mem>>)
    %dma_wait3A_371 = arith.constant 0 : i32
    %dma_wait3A_372 = arith.constant 0 : i32
    %dma_wait3A_373 = arith.constant 0 : i32
    %dma_wait3A_374 = arith.constant 0 : i32
    %dma_wait3A_375 = tpu.memref_slice %arg6[%dma_wait3A_371, %dma_wait3A_372, %dma_wait3A_373, %dma_wait3A_374] : memref<5x8x4x768xf32, #tpu.memory_space<vmem>> -> memref<1x8x4x768xf32, #tpu.memory_space<vmem>>
    %dma_wait3A_376 = tpu.memref_squeeze %dma_wait3A_375 : memref<1x8x4x768xf32, #tpu.memory_space<vmem>> -> memref<8x4x768xf32, #tpu.memory_space<vmem>>
    %dma_wait3A_377 = arith.constant 40 : i32
    %dma_wait3A_378 = tpu.memref_slice %arg5[%dma_wait3A_377] : memref<128xi32, #tpu.memory_space<vmem>> -> memref<8xi32, #tpu.memory_space<vmem>>
    %dma_wait3A_379 = arith.constant 0 : i32
    %dma_wait3A_380 = arith.constant 0 : i32
    %dma_wait3A_381 = arith.constant 0 : i32
    %dma_wait3A_382 = tpu.memref_slice %arg3[%dma_wait3A_379, %dma_wait3A_380, %dma_wait3A_381] : memref<100000x4x768xf32, #tpu.memory_space<hbm>> -> memref<100000x4x768xf32, #tpu.memory_space<hbm>>
    tpu.wait_indirect_dma semaphore(%arg7 : memref<!tpu.dma_semaphore, #tpu.memory_space<semaphore_mem>>) src(%dma_wait3A_382 : memref<100000x4x768xf32, #tpu.memory_space<hbm>>) dst(%dma_wait3A_376 : memref<8x4x768xf32, #tpu.memory_space<vmem>>)
    %add3A_383 = arith.constant 40 : i32
    %add3A_384 = arith.addi %mul3A_2, %add3A_383 : i32
    %dma_start3A_385 = arith.constant 0 : i32
    %dma_start3A_386 = arith.constant 0 : i32
    %dma_start3A_387 = arith.constant 0 : i32
    %dma_start3A_388 = arith.constant 0 : i32
    %dma_start3A_389 = tpu.memref_slice %arg6[%dma_start3A_385, %dma_start3A_386, %dma_start3A_387, %dma_start3A_388] : memref<5x8x4x768xf32, #tpu.memory_space<vmem>> -> memref<1x8x4x768xf32, #tpu.memory_space<vmem>>
    %dma_start3A_390 = tpu.memref_squeeze %dma_start3A_389 : memref<1x8x4x768xf32, #tpu.memory_space<vmem>> -> memref<8x4x768xf32, #tpu.memory_space<vmem>>
    %dma_start3A_391 = arith.constant 0 : i32
    %dma_start3A_392 = arith.constant 0 : i32
    %dma_start3A_393 = tpu.memref_slice %arg4[%add3A_384, %dma_start3A_391, %dma_start3A_392] : memref<4096x4x768xf32, #tpu.memory_space<hbm>> -> memref<8x4x768xf32, #tpu.memory_space<hbm>>
    %dma_start3A_394 = arith.constant 0 : i32
    %dma_start3A_395 = arith.constant 0 : i32
    %dma_start3A_396 = tpu.memref_slice %arg4[%add3A_384, %dma_start3A_394, %dma_start3A_395] : memref<4096x4x768xf32, #tpu.memory_space<hbm>> -> memref<8x4x768xf32, #tpu.memory_space<hbm>>
    %dma_start3A_397 = arith.constant 0 : i32
    %dma_start3A_398 = arith.constant 0 : i32
    %dma_start3A_399 = arith.constant 0 : i32
    %dma_start3A_400 = tpu.memref_slice %arg6[%dma_start3A_385, %dma_start3A_397, %dma_start3A_398, %dma_start3A_399] : memref<5x8x4x768xf32, #tpu.memory_space<vmem>> -> memref<1x8x4x768xf32, #tpu.memory_space<vmem>>
    %dma_start3A_401 = tpu.memref_squeeze %dma_start3A_400 : memref<1x8x4x768xf32, #tpu.memory_space<vmem>> -> memref<8x4x768xf32, #tpu.memory_space<vmem>>
    tpu.enqueue_dma source(%dma_start3A_401 : memref<8x4x768xf32, #tpu.memory_space<vmem>>) target(%dma_start3A_396 : memref<8x4x768xf32, #tpu.memory_space<hbm>>) target_semaphore(%arg12 : memref<!tpu.dma_semaphore, #tpu.memory_space<semaphore_mem>>)
    %add3A_402 = arith.constant 40 : i32
    %add3A_403 = arith.addi %mul3A_2, %add3A_402 : i32
    %dma_wait3A_404 = arith.constant 0 : i32
    %dma_wait3A_405 = arith.constant 0 : i32
    %dma_wait3A_406 = arith.constant 0 : i32
    %dma_wait3A_407 = arith.constant 0 : i32
    %dma_wait3A_408 = tpu.memref_slice %arg6[%dma_wait3A_404, %dma_wait3A_405, %dma_wait3A_406, %dma_wait3A_407] : memref<5x8x4x768xf32, #tpu.memory_space<vmem>> -> memref<1x8x4x768xf32, #tpu.memory_space<vmem>>
    %dma_wait3A_409 = tpu.memref_squeeze %dma_wait3A_408 : memref<1x8x4x768xf32, #tpu.memory_space<vmem>> -> memref<8x4x768xf32, #tpu.memory_space<vmem>>
    %dma_wait3A_410 = arith.constant 0 : i32
    %dma_wait3A_411 = arith.constant 0 : i32
    %dma_wait3A_412 = tpu.memref_slice %arg4[%add3A_403, %dma_wait3A_410, %dma_wait3A_411] : memref<4096x4x768xf32, #tpu.memory_space<hbm>> -> memref<8x4x768xf32, #tpu.memory_space<hbm>>
    %dma_wait3A_413 = arith.constant 0 : i32
    %dma_wait3A_414 = arith.constant 0 : i32
    %dma_wait3A_415 = tpu.memref_slice %arg4[%add3A_403, %dma_wait3A_413, %dma_wait3A_414] : memref<4096x4x768xf32, #tpu.memory_space<hbm>> -> memref<8x4x768xf32, #tpu.memory_space<hbm>>
    %dma_wait3A_416 = arith.constant 0 : i32
    %dma_wait3A_417 = arith.constant 0 : i32
    %dma_wait3A_418 = arith.constant 0 : i32
    %dma_wait3A_419 = tpu.memref_slice %arg6[%dma_wait3A_404, %dma_wait3A_416, %dma_wait3A_417, %dma_wait3A_418] : memref<5x8x4x768xf32, #tpu.memory_space<vmem>> -> memref<1x8x4x768xf32, #tpu.memory_space<vmem>>
    %dma_wait3A_420 = tpu.memref_squeeze %dma_wait3A_419 : memref<1x8x4x768xf32, #tpu.memory_space<vmem>> -> memref<8x4x768xf32, #tpu.memory_space<vmem>>
    tpu.wait_dma2 semaphore(%arg12 : memref<!tpu.dma_semaphore, #tpu.memory_space<semaphore_mem>>) src(%dma_wait3A_420 : memref<8x4x768xf32, #tpu.memory_space<vmem>>) dst(%dma_wait3A_415 : memref<8x4x768xf32, #tpu.memory_space<hbm>>)
    %dma_start3A_421 = arith.constant 0 : i32
    %dma_start3A_422 = arith.constant 0 : i32
    %dma_start3A_423 = arith.constant 0 : i32
    %dma_start3A_424 = arith.constant 0 : i32
    %dma_start3A_425 = tpu.memref_slice %arg6[%dma_start3A_421, %dma_start3A_422, %dma_start3A_423, %dma_start3A_424] : memref<5x8x4x768xf32, #tpu.memory_space<vmem>> -> memref<1x8x4x768xf32, #tpu.memory_space<vmem>>
    %dma_start3A_426 = tpu.memref_squeeze %dma_start3A_425 : memref<1x8x4x768xf32, #tpu.memory_space<vmem>> -> memref<8x4x768xf32, #tpu.memory_space<vmem>>
    %dma_start3A_427 = arith.constant 80 : i32
    %dma_start3A_428 = tpu.memref_slice %arg5[%dma_start3A_427] : memref<128xi32, #tpu.memory_space<vmem>> -> memref<8xi32, #tpu.memory_space<vmem>>
    %dma_start3A_429 = arith.constant 0 : i32
    %dma_start3A_430 = arith.constant 0 : i32
    %dma_start3A_431 = arith.constant 0 : i32
    %dma_start3A_432 = tpu.memref_slice %arg3[%dma_start3A_429, %dma_start3A_430, %dma_start3A_431] : memref<100000x4x768xf32, #tpu.memory_space<hbm>> -> memref<100000x4x768xf32, #tpu.memory_space<hbm>>
    tpu.enqueue_indirect_dma source(%dma_start3A_432 : memref<100000x4x768xf32, #tpu.memory_space<hbm>>) target(%dma_start3A_426 : memref<8x4x768xf32, #tpu.memory_space<vmem>>) offsets(%dma_start3A_428 : memref<8xi32, #tpu.memory_space<vmem>>) semaphore(%arg7 : memref<!tpu.dma_semaphore, #tpu.memory_space<semaphore_mem>>)
    %dma_wait3A_433 = arith.constant 1 : i32
    %dma_wait3A_434 = arith.constant 0 : i32
    %dma_wait3A_435 = arith.constant 0 : i32
    %dma_wait3A_436 = arith.constant 0 : i32
    %dma_wait3A_437 = tpu.memref_slice %arg6[%dma_wait3A_433, %dma_wait3A_434, %dma_wait3A_435, %dma_wait3A_436] : memref<5x8x4x768xf32, #tpu.memory_space<vmem>> -> memref<1x8x4x768xf32, #tpu.memory_space<vmem>>
    %dma_wait3A_438 = tpu.memref_squeeze %dma_wait3A_437 : memref<1x8x4x768xf32, #tpu.memory_space<vmem>> -> memref<8x4x768xf32, #tpu.memory_space<vmem>>
    %dma_wait3A_439 = arith.constant 48 : i32
    %dma_wait3A_440 = tpu.memref_slice %arg5[%dma_wait3A_439] : memref<128xi32, #tpu.memory_space<vmem>> -> memref<8xi32, #tpu.memory_space<vmem>>
    %dma_wait3A_441 = arith.constant 0 : i32
    %dma_wait3A_442 = arith.constant 0 : i32
    %dma_wait3A_443 = arith.constant 0 : i32
    %dma_wait3A_444 = tpu.memref_slice %arg3[%dma_wait3A_441, %dma_wait3A_442, %dma_wait3A_443] : memref<100000x4x768xf32, #tpu.memory_space<hbm>> -> memref<100000x4x768xf32, #tpu.memory_space<hbm>>
    tpu.wait_indirect_dma semaphore(%arg8 : memref<!tpu.dma_semaphore, #tpu.memory_space<semaphore_mem>>) src(%dma_wait3A_444 : memref<100000x4x768xf32, #tpu.memory_space<hbm>>) dst(%dma_wait3A_438 : memref<8x4x768xf32, #tpu.memory_space<vmem>>)
    %add3A_445 = arith.constant 48 : i32
    %add3A_446 = arith.addi %mul3A_2, %add3A_445 : i32
    %dma_start3A_447 = arith.constant 1 : i32
    %dma_start3A_448 = arith.constant 0 : i32
    %dma_start3A_449 = arith.constant 0 : i32
    %dma_start3A_450 = arith.constant 0 : i32
    %dma_start3A_451 = tpu.memref_slice %arg6[%dma_start3A_447, %dma_start3A_448, %dma_start3A_449, %dma_start3A_450] : memref<5x8x4x768xf32, #tpu.memory_space<vmem>> -> memref<1x8x4x768xf32, #tpu.memory_space<vmem>>
    %dma_start3A_452 = tpu.memref_squeeze %dma_start3A_451 : memref<1x8x4x768xf32, #tpu.memory_space<vmem>> -> memref<8x4x768xf32, #tpu.memory_space<vmem>>
    %dma_start3A_453 = arith.constant 0 : i32
    %dma_start3A_454 = arith.constant 0 : i32
    %dma_start3A_455 = tpu.memref_slice %arg4[%add3A_446, %dma_start3A_453, %dma_start3A_454] : memref<4096x4x768xf32, #tpu.memory_space<hbm>> -> memref<8x4x768xf32, #tpu.memory_space<hbm>>
    %dma_start3A_456 = arith.constant 0 : i32
    %dma_start3A_457 = arith.constant 0 : i32
    %dma_start3A_458 = tpu.memref_slice %arg4[%add3A_446, %dma_start3A_456, %dma_start3A_457] : memref<4096x4x768xf32, #tpu.memory_space<hbm>> -> memref<8x4x768xf32, #tpu.memory_space<hbm>>
    %dma_start3A_459 = arith.constant 0 : i32
    %dma_start3A_460 = arith.constant 0 : i32
    %dma_start3A_461 = arith.constant 0 : i32
    %dma_start3A_462 = tpu.memref_slice %arg6[%dma_start3A_447, %dma_start3A_459, %dma_start3A_460, %dma_start3A_461] : memref<5x8x4x768xf32, #tpu.memory_space<vmem>> -> memref<1x8x4x768xf32, #tpu.memory_space<vmem>>
    %dma_start3A_463 = tpu.memref_squeeze %dma_start3A_462 : memref<1x8x4x768xf32, #tpu.memory_space<vmem>> -> memref<8x4x768xf32, #tpu.memory_space<vmem>>
    tpu.enqueue_dma source(%dma_start3A_463 : memref<8x4x768xf32, #tpu.memory_space<vmem>>) target(%dma_start3A_458 : memref<8x4x768xf32, #tpu.memory_space<hbm>>) target_semaphore(%arg13 : memref<!tpu.dma_semaphore, #tpu.memory_space<semaphore_mem>>)
    %add3A_464 = arith.constant 48 : i32
    %add3A_465 = arith.addi %mul3A_2, %add3A_464 : i32
    %dma_wait3A_466 = arith.constant 1 : i32
    %dma_wait3A_467 = arith.constant 0 : i32
    %dma_wait3A_468 = arith.constant 0 : i32
    %dma_wait3A_469 = arith.constant 0 : i32
    %dma_wait3A_470 = tpu.memref_slice %arg6[%dma_wait3A_466, %dma_wait3A_467, %dma_wait3A_468, %dma_wait3A_469] : memref<5x8x4x768xf32, #tpu.memory_space<vmem>> -> memref<1x8x4x768xf32, #tpu.memory_space<vmem>>
    %dma_wait3A_471 = tpu.memref_squeeze %dma_wait3A_470 : memref<1x8x4x768xf32, #tpu.memory_space<vmem>> -> memref<8x4x768xf32, #tpu.memory_space<vmem>>
    %dma_wait3A_472 = arith.constant 0 : i32
    %dma_wait3A_473 = arith.constant 0 : i32
    %dma_wait3A_474 = tpu.memref_slice %arg4[%add3A_465, %dma_wait3A_472, %dma_wait3A_473] : memref<4096x4x768xf32, #tpu.memory_space<hbm>> -> memref<8x4x768xf32, #tpu.memory_space<hbm>>
    %dma_wait3A_475 = arith.constant 0 : i32
    %dma_wait3A_476 = arith.constant 0 : i32
    %dma_wait3A_477 = tpu.memref_slice %arg4[%add3A_465, %dma_wait3A_475, %dma_wait3A_476] : memref<4096x4x768xf32, #tpu.memory_space<hbm>> -> memref<8x4x768xf32, #tpu.memory_space<hbm>>
    %dma_wait3A_478 = arith.constant 0 : i32
    %dma_wait3A_479 = arith.constant 0 : i32
    %dma_wait3A_480 = arith.constant 0 : i32
    %dma_wait3A_481 = tpu.memref_slice %arg6[%dma_wait3A_466, %dma_wait3A_478, %dma_wait3A_479, %dma_wait3A_480] : memref<5x8x4x768xf32, #tpu.memory_space<vmem>> -> memref<1x8x4x768xf32, #tpu.memory_space<vmem>>
    %dma_wait3A_482 = tpu.memref_squeeze %dma_wait3A_481 : memref<1x8x4x768xf32, #tpu.memory_space<vmem>> -> memref<8x4x768xf32, #tpu.memory_space<vmem>>
    tpu.wait_dma2 semaphore(%arg13 : memref<!tpu.dma_semaphore, #tpu.memory_space<semaphore_mem>>) src(%dma_wait3A_482 : memref<8x4x768xf32, #tpu.memory_space<vmem>>) dst(%dma_wait3A_477 : memref<8x4x768xf32, #tpu.memory_space<hbm>>)
    %dma_start3A_483 = arith.constant 1 : i32
    %dma_start3A_484 = arith.constant 0 : i32
    %dma_start3A_485 = arith.constant 0 : i32
    %dma_start3A_486 = arith.constant 0 : i32
    %dma_start3A_487 = tpu.memref_slice %arg6[%dma_start3A_483, %dma_start3A_484, %dma_start3A_485, %dma_start3A_486] : memref<5x8x4x768xf32, #tpu.memory_space<vmem>> -> memref<1x8x4x768xf32, #tpu.memory_space<vmem>>
    %dma_start3A_488 = tpu.memref_squeeze %dma_start3A_487 : memref<1x8x4x768xf32, #tpu.memory_space<vmem>> -> memref<8x4x768xf32, #tpu.memory_space<vmem>>
    %dma_start3A_489 = arith.constant 88 : i32
    %dma_start3A_490 = tpu.memref_slice %arg5[%dma_start3A_489] : memref<128xi32, #tpu.memory_space<vmem>> -> memref<8xi32, #tpu.memory_space<vmem>>
    %dma_start3A_491 = arith.constant 0 : i32
    %dma_start3A_492 = arith.constant 0 : i32
    %dma_start3A_493 = arith.constant 0 : i32
    %dma_start3A_494 = tpu.memref_slice %arg3[%dma_start3A_491, %dma_start3A_492, %dma_start3A_493] : memref<100000x4x768xf32, #tpu.memory_space<hbm>> -> memref<100000x4x768xf32, #tpu.memory_space<hbm>>
    tpu.enqueue_indirect_dma source(%dma_start3A_494 : memref<100000x4x768xf32, #tpu.memory_space<hbm>>) target(%dma_start3A_488 : memref<8x4x768xf32, #tpu.memory_space<vmem>>) offsets(%dma_start3A_490 : memref<8xi32, #tpu.memory_space<vmem>>) semaphore(%arg8 : memref<!tpu.dma_semaphore, #tpu.memory_space<semaphore_mem>>)
    %dma_wait3A_495 = arith.constant 2 : i32
    %dma_wait3A_496 = arith.constant 0 : i32
    %dma_wait3A_497 = arith.constant 0 : i32
    %dma_wait3A_498 = arith.constant 0 : i32
    %dma_wait3A_499 = tpu.memref_slice %arg6[%dma_wait3A_495, %dma_wait3A_496, %dma_wait3A_497, %dma_wait3A_498] : memref<5x8x4x768xf32, #tpu.memory_space<vmem>> -> memref<1x8x4x768xf32, #tpu.memory_space<vmem>>
    %dma_wait3A_500 = tpu.memref_squeeze %dma_wait3A_499 : memref<1x8x4x768xf32, #tpu.memory_space<vmem>> -> memref<8x4x768xf32, #tpu.memory_space<vmem>>
    %dma_wait3A_501 = arith.constant 56 : i32
    %dma_wait3A_502 = tpu.memref_slice %arg5[%dma_wait3A_501] : memref<128xi32, #tpu.memory_space<vmem>> -> memref<8xi32, #tpu.memory_space<vmem>>
    %dma_wait3A_503 = arith.constant 0 : i32
    %dma_wait3A_504 = arith.constant 0 : i32
    %dma_wait3A_505 = arith.constant 0 : i32
    %dma_wait3A_506 = tpu.memref_slice %arg3[%dma_wait3A_503, %dma_wait3A_504, %dma_wait3A_505] : memref<100000x4x768xf32, #tpu.memory_space<hbm>> -> memref<100000x4x768xf32, #tpu.memory_space<hbm>>
    tpu.wait_indirect_dma semaphore(%arg9 : memref<!tpu.dma_semaphore, #tpu.memory_space<semaphore_mem>>) src(%dma_wait3A_506 : memref<100000x4x768xf32, #tpu.memory_space<hbm>>) dst(%dma_wait3A_500 : memref<8x4x768xf32, #tpu.memory_space<vmem>>)
    %add3A_507 = arith.constant 56 : i32
    %add3A_508 = arith.addi %mul3A_2, %add3A_507 : i32
    %dma_start3A_509 = arith.constant 2 : i32
    %dma_start3A_510 = arith.constant 0 : i32
    %dma_start3A_511 = arith.constant 0 : i32
    %dma_start3A_512 = arith.constant 0 : i32
    %dma_start3A_513 = tpu.memref_slice %arg6[%dma_start3A_509, %dma_start3A_510, %dma_start3A_511, %dma_start3A_512] : memref<5x8x4x768xf32, #tpu.memory_space<vmem>> -> memref<1x8x4x768xf32, #tpu.memory_space<vmem>>
    %dma_start3A_514 = tpu.memref_squeeze %dma_start3A_513 : memref<1x8x4x768xf32, #tpu.memory_space<vmem>> -> memref<8x4x768xf32, #tpu.memory_space<vmem>>
    %dma_start3A_515 = arith.constant 0 : i32
    %dma_start3A_516 = arith.constant 0 : i32
    %dma_start3A_517 = tpu.memref_slice %arg4[%add3A_508, %dma_start3A_515, %dma_start3A_516] : memref<4096x4x768xf32, #tpu.memory_space<hbm>> -> memref<8x4x768xf32, #tpu.memory_space<hbm>>
    %dma_start3A_518 = arith.constant 0 : i32
    %dma_start3A_519 = arith.constant 0 : i32
    %dma_start3A_520 = tpu.memref_slice %arg4[%add3A_508, %dma_start3A_518, %dma_start3A_519] : memref<4096x4x768xf32, #tpu.memory_space<hbm>> -> memref<8x4x768xf32, #tpu.memory_space<hbm>>
    %dma_start3A_521 = arith.constant 0 : i32
    %dma_start3A_522 = arith.constant 0 : i32
    %dma_start3A_523 = arith.constant 0 : i32
    %dma_start3A_524 = tpu.memref_slice %arg6[%dma_start3A_509, %dma_start3A_521, %dma_start3A_522, %dma_start3A_523] : memref<5x8x4x768xf32, #tpu.memory_space<vmem>> -> memref<1x8x4x768xf32, #tpu.memory_space<vmem>>
    %dma_start3A_525 = tpu.memref_squeeze %dma_start3A_524 : memref<1x8x4x768xf32, #tpu.memory_space<vmem>> -> memref<8x4x768xf32, #tpu.memory_space<vmem>>
    tpu.enqueue_dma source(%dma_start3A_525 : memref<8x4x768xf32, #tpu.memory_space<vmem>>) target(%dma_start3A_520 : memref<8x4x768xf32, #tpu.memory_space<hbm>>) target_semaphore(%arg14 : memref<!tpu.dma_semaphore, #tpu.memory_space<semaphore_mem>>)
    %add3A_526 = arith.constant 56 : i32
    %add3A_527 = arith.addi %mul3A_2, %add3A_526 : i32
    %dma_wait3A_528 = arith.constant 2 : i32
    %dma_wait3A_529 = arith.constant 0 : i32
    %dma_wait3A_530 = arith.constant 0 : i32
    %dma_wait3A_531 = arith.constant 0 : i32
    %dma_wait3A_532 = tpu.memref_slice %arg6[%dma_wait3A_528, %dma_wait3A_529, %dma_wait3A_530, %dma_wait3A_531] : memref<5x8x4x768xf32, #tpu.memory_space<vmem>> -> memref<1x8x4x768xf32, #tpu.memory_space<vmem>>
    %dma_wait3A_533 = tpu.memref_squeeze %dma_wait3A_532 : memref<1x8x4x768xf32, #tpu.memory_space<vmem>> -> memref<8x4x768xf32, #tpu.memory_space<vmem>>
    %dma_wait3A_534 = arith.constant 0 : i32
    %dma_wait3A_535 = arith.constant 0 : i32
    %dma_wait3A_536 = tpu.memref_slice %arg4[%add3A_527, %dma_wait3A_534, %dma_wait3A_535] : memref<4096x4x768xf32, #tpu.memory_space<hbm>> -> memref<8x4x768xf32, #tpu.memory_space<hbm>>
    %dma_wait3A_537 = arith.constant 0 : i32
    %dma_wait3A_538 = arith.constant 0 : i32
    %dma_wait3A_539 = tpu.memref_slice %arg4[%add3A_527, %dma_wait3A_537, %dma_wait3A_538] : memref<4096x4x768xf32, #tpu.memory_space<hbm>> -> memref<8x4x768xf32, #tpu.memory_space<hbm>>
    %dma_wait3A_540 = arith.constant 0 : i32
    %dma_wait3A_541 = arith.constant 0 : i32
    %dma_wait3A_542 = arith.constant 0 : i32
    %dma_wait3A_543 = tpu.memref_slice %arg6[%dma_wait3A_528, %dma_wait3A_540, %dma_wait3A_541, %dma_wait3A_542] : memref<5x8x4x768xf32, #tpu.memory_space<vmem>> -> memref<1x8x4x768xf32, #tpu.memory_space<vmem>>
    %dma_wait3A_544 = tpu.memref_squeeze %dma_wait3A_543 : memref<1x8x4x768xf32, #tpu.memory_space<vmem>> -> memref<8x4x768xf32, #tpu.memory_space<vmem>>
    tpu.wait_dma2 semaphore(%arg14 : memref<!tpu.dma_semaphore, #tpu.memory_space<semaphore_mem>>) src(%dma_wait3A_544 : memref<8x4x768xf32, #tpu.memory_space<vmem>>) dst(%dma_wait3A_539 : memref<8x4x768xf32, #tpu.memory_space<hbm>>)
    %dma_start3A_545 = arith.constant 2 : i32
    %dma_start3A_546 = arith.constant 0 : i32
    %dma_start3A_547 = arith.constant 0 : i32
    %dma_start3A_548 = arith.constant 0 : i32
    %dma_start3A_549 = tpu.memref_slice %arg6[%dma_start3A_545, %dma_start3A_546, %dma_start3A_547, %dma_start3A_548] : memref<5x8x4x768xf32, #tpu.memory_space<vmem>> -> memref<1x8x4x768xf32, #tpu.memory_space<vmem>>
    %dma_start3A_550 = tpu.memref_squeeze %dma_start3A_549 : memref<1x8x4x768xf32, #tpu.memory_space<vmem>> -> memref<8x4x768xf32, #tpu.memory_space<vmem>>
    %dma_start3A_551 = arith.constant 96 : i32
    %dma_start3A_552 = tpu.memref_slice %arg5[%dma_start3A_551] : memref<128xi32, #tpu.memory_space<vmem>> -> memref<8xi32, #tpu.memory_space<vmem>>
    %dma_start3A_553 = arith.constant 0 : i32
    %dma_start3A_554 = arith.constant 0 : i32
    %dma_start3A_555 = arith.constant 0 : i32
    %dma_start3A_556 = tpu.memref_slice %arg3[%dma_start3A_553, %dma_start3A_554, %dma_start3A_555] : memref<100000x4x768xf32, #tpu.memory_space<hbm>> -> memref<100000x4x768xf32, #tpu.memory_space<hbm>>
    tpu.enqueue_indirect_dma source(%dma_start3A_556 : memref<100000x4x768xf32, #tpu.memory_space<hbm>>) target(%dma_start3A_550 : memref<8x4x768xf32, #tpu.memory_space<vmem>>) offsets(%dma_start3A_552 : memref<8xi32, #tpu.memory_space<vmem>>) semaphore(%arg9 : memref<!tpu.dma_semaphore, #tpu.memory_space<semaphore_mem>>)
    %dma_wait3A_557 = arith.constant 3 : i32
    %dma_wait3A_558 = arith.constant 0 : i32
    %dma_wait3A_559 = arith.constant 0 : i32
    %dma_wait3A_560 = arith.constant 0 : i32
    %dma_wait3A_561 = tpu.memref_slice %arg6[%dma_wait3A_557, %dma_wait3A_558, %dma_wait3A_559, %dma_wait3A_560] : memref<5x8x4x768xf32, #tpu.memory_space<vmem>> -> memref<1x8x4x768xf32, #tpu.memory_space<vmem>>
    %dma_wait3A_562 = tpu.memref_squeeze %dma_wait3A_561 : memref<1x8x4x768xf32, #tpu.memory_space<vmem>> -> memref<8x4x768xf32, #tpu.memory_space<vmem>>
    %dma_wait3A_563 = arith.constant 64 : i32
    %dma_wait3A_564 = tpu.memref_slice %arg5[%dma_wait3A_563] : memref<128xi32, #tpu.memory_space<vmem>> -> memref<8xi32, #tpu.memory_space<vmem>>
    %dma_wait3A_565 = arith.constant 0 : i32
    %dma_wait3A_566 = arith.constant 0 : i32
    %dma_wait3A_567 = arith.constant 0 : i32
    %dma_wait3A_568 = tpu.memref_slice %arg3[%dma_wait3A_565, %dma_wait3A_566, %dma_wait3A_567] : memref<100000x4x768xf32, #tpu.memory_space<hbm>> -> memref<100000x4x768xf32, #tpu.memory_space<hbm>>
    tpu.wait_indirect_dma semaphore(%arg10 : memref<!tpu.dma_semaphore, #tpu.memory_space<semaphore_mem>>) src(%dma_wait3A_568 : memref<100000x4x768xf32, #tpu.memory_space<hbm>>) dst(%dma_wait3A_562 : memref<8x4x768xf32, #tpu.memory_space<vmem>>)
    %add3A_569 = arith.constant 64 : i32
    %add3A_570 = arith.addi %mul3A_2, %add3A_569 : i32
    %dma_start3A_571 = arith.constant 3 : i32
    %dma_start3A_572 = arith.constant 0 : i32
    %dma_start3A_573 = arith.constant 0 : i32
    %dma_start3A_574 = arith.constant 0 : i32
    %dma_start3A_575 = tpu.memref_slice %arg6[%dma_start3A_571, %dma_start3A_572, %dma_start3A_573, %dma_start3A_574] : memref<5x8x4x768xf32, #tpu.memory_space<vmem>> -> memref<1x8x4x768xf32, #tpu.memory_space<vmem>>
    %dma_start3A_576 = tpu.memref_squeeze %dma_start3A_575 : memref<1x8x4x768xf32, #tpu.memory_space<vmem>> -> memref<8x4x768xf32, #tpu.memory_space<vmem>>
    %dma_start3A_577 = arith.constant 0 : i32
    %dma_start3A_578 = arith.constant 0 : i32
    %dma_start3A_579 = tpu.memref_slice %arg4[%add3A_570, %dma_start3A_577, %dma_start3A_578] : memref<4096x4x768xf32, #tpu.memory_space<hbm>> -> memref<8x4x768xf32, #tpu.memory_space<hbm>>
    %dma_start3A_580 = arith.constant 0 : i32
    %dma_start3A_581 = arith.constant 0 : i32
    %dma_start3A_582 = tpu.memref_slice %arg4[%add3A_570, %dma_start3A_580, %dma_start3A_581] : memref<4096x4x768xf32, #tpu.memory_space<hbm>> -> memref<8x4x768xf32, #tpu.memory_space<hbm>>
    %dma_start3A_583 = arith.constant 0 : i32
    %dma_start3A_584 = arith.constant 0 : i32
    %dma_start3A_585 = arith.constant 0 : i32
    %dma_start3A_586 = tpu.memref_slice %arg6[%dma_start3A_571, %dma_start3A_583, %dma_start3A_584, %dma_start3A_585] : memref<5x8x4x768xf32, #tpu.memory_space<vmem>> -> memref<1x8x4x768xf32, #tpu.memory_space<vmem>>
    %dma_start3A_587 = tpu.memref_squeeze %dma_start3A_586 : memref<1x8x4x768xf32, #tpu.memory_space<vmem>> -> memref<8x4x768xf32, #tpu.memory_space<vmem>>
    tpu.enqueue_dma source(%dma_start3A_587 : memref<8x4x768xf32, #tpu.memory_space<vmem>>) target(%dma_start3A_582 : memref<8x4x768xf32, #tpu.memory_space<hbm>>) target_semaphore(%arg15 : memref<!tpu.dma_semaphore, #tpu.memory_space<semaphore_mem>>)
    %add3A_588 = arith.constant 64 : i32
    %add3A_589 = arith.addi %mul3A_2, %add3A_588 : i32
    %dma_wait3A_590 = arith.constant 3 : i32
    %dma_wait3A_591 = arith.constant 0 : i32
    %dma_wait3A_592 = arith.constant 0 : i32
    %dma_wait3A_593 = arith.constant 0 : i32
    %dma_wait3A_594 = tpu.memref_slice %arg6[%dma_wait3A_590, %dma_wait3A_591, %dma_wait3A_592, %dma_wait3A_593] : memref<5x8x4x768xf32, #tpu.memory_space<vmem>> -> memref<1x8x4x768xf32, #tpu.memory_space<vmem>>
    %dma_wait3A_595 = tpu.memref_squeeze %dma_wait3A_594 : memref<1x8x4x768xf32, #tpu.memory_space<vmem>> -> memref<8x4x768xf32, #tpu.memory_space<vmem>>
    %dma_wait3A_596 = arith.constant 0 : i32
    %dma_wait3A_597 = arith.constant 0 : i32
    %dma_wait3A_598 = tpu.memref_slice %arg4[%add3A_589, %dma_wait3A_596, %dma_wait3A_597] : memref<4096x4x768xf32, #tpu.memory_space<hbm>> -> memref<8x4x768xf32, #tpu.memory_space<hbm>>
    %dma_wait3A_599 = arith.constant 0 : i32
    %dma_wait3A_600 = arith.constant 0 : i32
    %dma_wait3A_601 = tpu.memref_slice %arg4[%add3A_589, %dma_wait3A_599, %dma_wait3A_600] : memref<4096x4x768xf32, #tpu.memory_space<hbm>> -> memref<8x4x768xf32, #tpu.memory_space<hbm>>
    %dma_wait3A_602 = arith.constant 0 : i32
    %dma_wait3A_603 = arith.constant 0 : i32
    %dma_wait3A_604 = arith.constant 0 : i32
    %dma_wait3A_605 = tpu.memref_slice %arg6[%dma_wait3A_590, %dma_wait3A_602, %dma_wait3A_603, %dma_wait3A_604] : memref<5x8x4x768xf32, #tpu.memory_space<vmem>> -> memref<1x8x4x768xf32, #tpu.memory_space<vmem>>
    %dma_wait3A_606 = tpu.memref_squeeze %dma_wait3A_605 : memref<1x8x4x768xf32, #tpu.memory_space<vmem>> -> memref<8x4x768xf32, #tpu.memory_space<vmem>>
    tpu.wait_dma2 semaphore(%arg15 : memref<!tpu.dma_semaphore, #tpu.memory_space<semaphore_mem>>) src(%dma_wait3A_606 : memref<8x4x768xf32, #tpu.memory_space<vmem>>) dst(%dma_wait3A_601 : memref<8x4x768xf32, #tpu.memory_space<hbm>>)
    %dma_start3A_607 = arith.constant 3 : i32
    %dma_start3A_608 = arith.constant 0 : i32
    %dma_start3A_609 = arith.constant 0 : i32
    %dma_start3A_610 = arith.constant 0 : i32
    %dma_start3A_611 = tpu.memref_slice %arg6[%dma_start3A_607, %dma_start3A_608, %dma_start3A_609, %dma_start3A_610] : memref<5x8x4x768xf32, #tpu.memory_space<vmem>> -> memref<1x8x4x768xf32, #tpu.memory_space<vmem>>
    %dma_start3A_612 = tpu.memref_squeeze %dma_start3A_611 : memref<1x8x4x768xf32, #tpu.memory_space<vmem>> -> memref<8x4x768xf32, #tpu.memory_space<vmem>>
    %dma_start3A_613 = arith.constant 104 : i32
    %dma_start3A_614 = tpu.memref_slice %arg5[%dma_start3A_613] : memref<128xi32, #tpu.memory_space<vmem>> -> memref<8xi32, #tpu.memory_space<vmem>>
    %dma_start3A_615 = arith.constant 0 : i32
    %dma_start3A_616 = arith.constant 0 : i32
    %dma_start3A_617 = arith.constant 0 : i32
    %dma_start3A_618 = tpu.memref_slice %arg3[%dma_start3A_615, %dma_start3A_616, %dma_start3A_617] : memref<100000x4x768xf32, #tpu.memory_space<hbm>> -> memref<100000x4x768xf32, #tpu.memory_space<hbm>>
    tpu.enqueue_indirect_dma source(%dma_start3A_618 : memref<100000x4x768xf32, #tpu.memory_space<hbm>>) target(%dma_start3A_612 : memref<8x4x768xf32, #tpu.memory_space<vmem>>) offsets(%dma_start3A_614 : memref<8xi32, #tpu.memory_space<vmem>>) semaphore(%arg10 : memref<!tpu.dma_semaphore, #tpu.memory_space<semaphore_mem>>)
    %dma_wait3A_619 = arith.constant 4 : i32
    %dma_wait3A_620 = arith.constant 0 : i32
    %dma_wait3A_621 = arith.constant 0 : i32
    %dma_wait3A_622 = arith.constant 0 : i32
    %dma_wait3A_623 = tpu.memref_slice %arg6[%dma_wait3A_619, %dma_wait3A_620, %dma_wait3A_621, %dma_wait3A_622] : memref<5x8x4x768xf32, #tpu.memory_space<vmem>> -> memref<1x8x4x768xf32, #tpu.memory_space<vmem>>
    %dma_wait3A_624 = tpu.memref_squeeze %dma_wait3A_623 : memref<1x8x4x768xf32, #tpu.memory_space<vmem>> -> memref<8x4x768xf32, #tpu.memory_space<vmem>>
    %dma_wait3A_625 = arith.constant 72 : i32
    %dma_wait3A_626 = tpu.memref_slice %arg5[%dma_wait3A_625] : memref<128xi32, #tpu.memory_space<vmem>> -> memref<8xi32, #tpu.memory_space<vmem>>
    %dma_wait3A_627 = arith.constant 0 : i32
    %dma_wait3A_628 = arith.constant 0 : i32
    %dma_wait3A_629 = arith.constant 0 : i32
    %dma_wait3A_630 = tpu.memref_slice %arg3[%dma_wait3A_627, %dma_wait3A_628, %dma_wait3A_629] : memref<100000x4x768xf32, #tpu.memory_space<hbm>> -> memref<100000x4x768xf32, #tpu.memory_space<hbm>>
    tpu.wait_indirect_dma semaphore(%arg11 : memref<!tpu.dma_semaphore, #tpu.memory_space<semaphore_mem>>) src(%dma_wait3A_630 : memref<100000x4x768xf32, #tpu.memory_space<hbm>>) dst(%dma_wait3A_624 : memref<8x4x768xf32, #tpu.memory_space<vmem>>)
    %add3A_631 = arith.constant 72 : i32
    %add3A_632 = arith.addi %mul3A_2, %add3A_631 : i32
    %dma_start3A_633 = arith.constant 4 : i32
    %dma_start3A_634 = arith.constant 0 : i32
    %dma_start3A_635 = arith.constant 0 : i32
    %dma_start3A_636 = arith.constant 0 : i32
    %dma_start3A_637 = tpu.memref_slice %arg6[%dma_start3A_633, %dma_start3A_634, %dma_start3A_635, %dma_start3A_636] : memref<5x8x4x768xf32, #tpu.memory_space<vmem>> -> memref<1x8x4x768xf32, #tpu.memory_space<vmem>>
    %dma_start3A_638 = tpu.memref_squeeze %dma_start3A_637 : memref<1x8x4x768xf32, #tpu.memory_space<vmem>> -> memref<8x4x768xf32, #tpu.memory_space<vmem>>
    %dma_start3A_639 = arith.constant 0 : i32
    %dma_start3A_640 = arith.constant 0 : i32
    %dma_start3A_641 = tpu.memref_slice %arg4[%add3A_632, %dma_start3A_639, %dma_start3A_640] : memref<4096x4x768xf32, #tpu.memory_space<hbm>> -> memref<8x4x768xf32, #tpu.memory_space<hbm>>
    %dma_start3A_642 = arith.constant 0 : i32
    %dma_start3A_643 = arith.constant 0 : i32
    %dma_start3A_644 = tpu.memref_slice %arg4[%add3A_632, %dma_start3A_642, %dma_start3A_643] : memref<4096x4x768xf32, #tpu.memory_space<hbm>> -> memref<8x4x768xf32, #tpu.memory_space<hbm>>
    %dma_start3A_645 = arith.constant 0 : i32
    %dma_start3A_646 = arith.constant 0 : i32
    %dma_start3A_647 = arith.constant 0 : i32
    %dma_start3A_648 = tpu.memref_slice %arg6[%dma_start3A_633, %dma_start3A_645, %dma_start3A_646, %dma_start3A_647] : memref<5x8x4x768xf32, #tpu.memory_space<vmem>> -> memref<1x8x4x768xf32, #tpu.memory_space<vmem>>
    %dma_start3A_649 = tpu.memref_squeeze %dma_start3A_648 : memref<1x8x4x768xf32, #tpu.memory_space<vmem>> -> memref<8x4x768xf32, #tpu.memory_space<vmem>>
    tpu.enqueue_dma source(%dma_start3A_649 : memref<8x4x768xf32, #tpu.memory_space<vmem>>) target(%dma_start3A_644 : memref<8x4x768xf32, #tpu.memory_space<hbm>>) target_semaphore(%arg16 : memref<!tpu.dma_semaphore, #tpu.memory_space<semaphore_mem>>)
    %add3A_650 = arith.constant 72 : i32
    %add3A_651 = arith.addi %mul3A_2, %add3A_650 : i32
    %dma_wait3A_652 = arith.constant 4 : i32
    %dma_wait3A_653 = arith.constant 0 : i32
    %dma_wait3A_654 = arith.constant 0 : i32
    %dma_wait3A_655 = arith.constant 0 : i32
    %dma_wait3A_656 = tpu.memref_slice %arg6[%dma_wait3A_652, %dma_wait3A_653, %dma_wait3A_654, %dma_wait3A_655] : memref<5x8x4x768xf32, #tpu.memory_space<vmem>> -> memref<1x8x4x768xf32, #tpu.memory_space<vmem>>
    %dma_wait3A_657 = tpu.memref_squeeze %dma_wait3A_656 : memref<1x8x4x768xf32, #tpu.memory_space<vmem>> -> memref<8x4x768xf32, #tpu.memory_space<vmem>>
    %dma_wait3A_658 = arith.constant 0 : i32
    %dma_wait3A_659 = arith.constant 0 : i32
    %dma_wait3A_660 = tpu.memref_slice %arg4[%add3A_651, %dma_wait3A_658, %dma_wait3A_659] : memref<4096x4x768xf32, #tpu.memory_space<hbm>> -> memref<8x4x768xf32, #tpu.memory_space<hbm>>
    %dma_wait3A_661 = arith.constant 0 : i32
    %dma_wait3A_662 = arith.constant 0 : i32
    %dma_wait3A_663 = tpu.memref_slice %arg4[%add3A_651, %dma_wait3A_661, %dma_wait3A_662] : memref<4096x4x768xf32, #tpu.memory_space<hbm>> -> memref<8x4x768xf32, #tpu.memory_space<hbm>>
    %dma_wait3A_664 = arith.constant 0 : i32
    %dma_wait3A_665 = arith.constant 0 : i32
    %dma_wait3A_666 = arith.constant 0 : i32
    %dma_wait3A_667 = tpu.memref_slice %arg6[%dma_wait3A_652, %dma_wait3A_664, %dma_wait3A_665, %dma_wait3A_666] : memref<5x8x4x768xf32, #tpu.memory_space<vmem>> -> memref<1x8x4x768xf32, #tpu.memory_space<vmem>>
    %dma_wait3A_668 = tpu.memref_squeeze %dma_wait3A_667 : memref<1x8x4x768xf32, #tpu.memory_space<vmem>> -> memref<8x4x768xf32, #tpu.memory_space<vmem>>
    tpu.wait_dma2 semaphore(%arg16 : memref<!tpu.dma_semaphore, #tpu.memory_space<semaphore_mem>>) src(%dma_wait3A_668 : memref<8x4x768xf32, #tpu.memory_space<vmem>>) dst(%dma_wait3A_663 : memref<8x4x768xf32, #tpu.memory_space<hbm>>)
    %dma_start3A_669 = arith.constant 4 : i32
    %dma_start3A_670 = arith.constant 0 : i32
    %dma_start3A_671 = arith.constant 0 : i32
    %dma_start3A_672 = arith.constant 0 : i32
    %dma_start3A_673 = tpu.memref_slice %arg6[%dma_start3A_669, %dma_start3A_670, %dma_start3A_671, %dma_start3A_672] : memref<5x8x4x768xf32, #tpu.memory_space<vmem>> -> memref<1x8x4x768xf32, #tpu.memory_space<vmem>>
    %dma_start3A_674 = tpu.memref_squeeze %dma_start3A_673 : memref<1x8x4x768xf32, #tpu.memory_space<vmem>> -> memref<8x4x768xf32, #tpu.memory_space<vmem>>
    %dma_start3A_675 = arith.constant 112 : i32
    %dma_start3A_676 = tpu.memref_slice %arg5[%dma_start3A_675] : memref<128xi32, #tpu.memory_space<vmem>> -> memref<8xi32, #tpu.memory_space<vmem>>
    %dma_start3A_677 = arith.constant 0 : i32
    %dma_start3A_678 = arith.constant 0 : i32
    %dma_start3A_679 = arith.constant 0 : i32
    %dma_start3A_680 = tpu.memref_slice %arg3[%dma_start3A_677, %dma_start3A_678, %dma_start3A_679] : memref<100000x4x768xf32, #tpu.memory_space<hbm>> -> memref<100000x4x768xf32, #tpu.memory_space<hbm>>
    tpu.enqueue_indirect_dma source(%dma_start3A_680 : memref<100000x4x768xf32, #tpu.memory_space<hbm>>) target(%dma_start3A_674 : memref<8x4x768xf32, #tpu.memory_space<vmem>>) offsets(%dma_start3A_676 : memref<8xi32, #tpu.memory_space<vmem>>) semaphore(%arg11 : memref<!tpu.dma_semaphore, #tpu.memory_space<semaphore_mem>>)
    %dma_wait3A_681 = arith.constant 0 : i32
    %dma_wait3A_682 = arith.constant 0 : i32
    %dma_wait3A_683 = arith.constant 0 : i32
    %dma_wait3A_684 = arith.constant 0 : i32
    %dma_wait3A_685 = tpu.memref_slice %arg6[%dma_wait3A_681, %dma_wait3A_682, %dma_wait3A_683, %dma_wait3A_684] : memref<5x8x4x768xf32, #tpu.memory_space<vmem>> -> memref<1x8x4x768xf32, #tpu.memory_space<vmem>>
    %dma_wait3A_686 = tpu.memref_squeeze %dma_wait3A_685 : memref<1x8x4x768xf32, #tpu.memory_space<vmem>> -> memref<8x4x768xf32, #tpu.memory_space<vmem>>
    %dma_wait3A_687 = arith.constant 80 : i32
    %dma_wait3A_688 = tpu.memref_slice %arg5[%dma_wait3A_687] : memref<128xi32, #tpu.memory_space<vmem>> -> memref<8xi32, #tpu.memory_space<vmem>>
    %dma_wait3A_689 = arith.constant 0 : i32
    %dma_wait3A_690 = arith.constant 0 : i32
    %dma_wait3A_691 = arith.constant 0 : i32
    %dma_wait3A_692 = tpu.memref_slice %arg3[%dma_wait3A_689, %dma_wait3A_690, %dma_wait3A_691] : memref<100000x4x768xf32, #tpu.memory_space<hbm>> -> memref<100000x4x768xf32, #tpu.memory_space<hbm>>
    tpu.wait_indirect_dma semaphore(%arg7 : memref<!tpu.dma_semaphore, #tpu.memory_space<semaphore_mem>>) src(%dma_wait3A_692 : memref<100000x4x768xf32, #tpu.memory_space<hbm>>) dst(%dma_wait3A_686 : memref<8x4x768xf32, #tpu.memory_space<vmem>>)
    %add3A_693 = arith.constant 80 : i32
    %add3A_694 = arith.addi %mul3A_2, %add3A_693 : i32
    %dma_start3A_695 = arith.constant 0 : i32
    %dma_start3A_696 = arith.constant 0 : i32
    %dma_start3A_697 = arith.constant 0 : i32
    %dma_start3A_698 = arith.constant 0 : i32
    %dma_start3A_699 = tpu.memref_slice %arg6[%dma_start3A_695, %dma_start3A_696, %dma_start3A_697, %dma_start3A_698] : memref<5x8x4x768xf32, #tpu.memory_space<vmem>> -> memref<1x8x4x768xf32, #tpu.memory_space<vmem>>
    %dma_start3A_700 = tpu.memref_squeeze %dma_start3A_699 : memref<1x8x4x768xf32, #tpu.memory_space<vmem>> -> memref<8x4x768xf32, #tpu.memory_space<vmem>>
    %dma_start3A_701 = arith.constant 0 : i32
    %dma_start3A_702 = arith.constant 0 : i32
    %dma_start3A_703 = tpu.memref_slice %arg4[%add3A_694, %dma_start3A_701, %dma_start3A_702] : memref<4096x4x768xf32, #tpu.memory_space<hbm>> -> memref<8x4x768xf32, #tpu.memory_space<hbm>>
    %dma_start3A_704 = arith.constant 0 : i32
    %dma_start3A_705 = arith.constant 0 : i32
    %dma_start3A_706 = tpu.memref_slice %arg4[%add3A_694, %dma_start3A_704, %dma_start3A_705] : memref<4096x4x768xf32, #tpu.memory_space<hbm>> -> memref<8x4x768xf32, #tpu.memory_space<hbm>>
    %dma_start3A_707 = arith.constant 0 : i32
    %dma_start3A_708 = arith.constant 0 : i32
    %dma_start3A_709 = arith.constant 0 : i32
    %dma_start3A_710 = tpu.memref_slice %arg6[%dma_start3A_695, %dma_start3A_707, %dma_start3A_708, %dma_start3A_709] : memref<5x8x4x768xf32, #tpu.memory_space<vmem>> -> memref<1x8x4x768xf32, #tpu.memory_space<vmem>>
    %dma_start3A_711 = tpu.memref_squeeze %dma_start3A_710 : memref<1x8x4x768xf32, #tpu.memory_space<vmem>> -> memref<8x4x768xf32, #tpu.memory_space<vmem>>
    tpu.enqueue_dma source(%dma_start3A_711 : memref<8x4x768xf32, #tpu.memory_space<vmem>>) target(%dma_start3A_706 : memref<8x4x768xf32, #tpu.memory_space<hbm>>) target_semaphore(%arg12 : memref<!tpu.dma_semaphore, #tpu.memory_space<semaphore_mem>>)
    %add3A_712 = arith.constant 80 : i32
    %add3A_713 = arith.addi %mul3A_2, %add3A_712 : i32
    %dma_wait3A_714 = arith.constant 0 : i32
    %dma_wait3A_715 = arith.constant 0 : i32
    %dma_wait3A_716 = arith.constant 0 : i32
    %dma_wait3A_717 = arith.constant 0 : i32
    %dma_wait3A_718 = tpu.memref_slice %arg6[%dma_wait3A_714, %dma_wait3A_715, %dma_wait3A_716, %dma_wait3A_717] : memref<5x8x4x768xf32, #tpu.memory_space<vmem>> -> memref<1x8x4x768xf32, #tpu.memory_space<vmem>>
    %dma_wait3A_719 = tpu.memref_squeeze %dma_wait3A_718 : memref<1x8x4x768xf32, #tpu.memory_space<vmem>> -> memref<8x4x768xf32, #tpu.memory_space<vmem>>
    %dma_wait3A_720 = arith.constant 0 : i32
    %dma_wait3A_721 = arith.constant 0 : i32
    %dma_wait3A_722 = tpu.memref_slice %arg4[%add3A_713, %dma_wait3A_720, %dma_wait3A_721] : memref<4096x4x768xf32, #tpu.memory_space<hbm>> -> memref<8x4x768xf32, #tpu.memory_space<hbm>>
    %dma_wait3A_723 = arith.constant 0 : i32
    %dma_wait3A_724 = arith.constant 0 : i32
    %dma_wait3A_725 = tpu.memref_slice %arg4[%add3A_713, %dma_wait3A_723, %dma_wait3A_724] : memref<4096x4x768xf32, #tpu.memory_space<hbm>> -> memref<8x4x768xf32, #tpu.memory_space<hbm>>
    %dma_wait3A_726 = arith.constant 0 : i32
    %dma_wait3A_727 = arith.constant 0 : i32
    %dma_wait3A_728 = arith.constant 0 : i32
    %dma_wait3A_729 = tpu.memref_slice %arg6[%dma_wait3A_714, %dma_wait3A_726, %dma_wait3A_727, %dma_wait3A_728] : memref<5x8x4x768xf32, #tpu.memory_space<vmem>> -> memref<1x8x4x768xf32, #tpu.memory_space<vmem>>
    %dma_wait3A_730 = tpu.memref_squeeze %dma_wait3A_729 : memref<1x8x4x768xf32, #tpu.memory_space<vmem>> -> memref<8x4x768xf32, #tpu.memory_space<vmem>>
    tpu.wait_dma2 semaphore(%arg12 : memref<!tpu.dma_semaphore, #tpu.memory_space<semaphore_mem>>) src(%dma_wait3A_730 : memref<8x4x768xf32, #tpu.memory_space<vmem>>) dst(%dma_wait3A_725 : memref<8x4x768xf32, #tpu.memory_space<hbm>>)
    %dma_start3A_731 = arith.constant 0 : i32
    %dma_start3A_732 = arith.constant 0 : i32
    %dma_start3A_733 = arith.constant 0 : i32
    %dma_start3A_734 = arith.constant 0 : i32
    %dma_start3A_735 = tpu.memref_slice %arg6[%dma_start3A_731, %dma_start3A_732, %dma_start3A_733, %dma_start3A_734] : memref<5x8x4x768xf32, #tpu.memory_space<vmem>> -> memref<1x8x4x768xf32, #tpu.memory_space<vmem>>
    %dma_start3A_736 = tpu.memref_squeeze %dma_start3A_735 : memref<1x8x4x768xf32, #tpu.memory_space<vmem>> -> memref<8x4x768xf32, #tpu.memory_space<vmem>>
    %dma_start3A_737 = arith.constant 120 : i32
    %dma_start3A_738 = tpu.memref_slice %arg5[%dma_start3A_737] : memref<128xi32, #tpu.memory_space<vmem>> -> memref<8xi32, #tpu.memory_space<vmem>>
    %dma_start3A_739 = arith.constant 0 : i32
    %dma_start3A_740 = arith.constant 0 : i32
    %dma_start3A_741 = arith.constant 0 : i32
    %dma_start3A_742 = tpu.memref_slice %arg3[%dma_start3A_739, %dma_start3A_740, %dma_start3A_741] : memref<100000x4x768xf32, #tpu.memory_space<hbm>> -> memref<100000x4x768xf32, #tpu.memory_space<hbm>>
    tpu.enqueue_indirect_dma source(%dma_start3A_742 : memref<100000x4x768xf32, #tpu.memory_space<hbm>>) target(%dma_start3A_736 : memref<8x4x768xf32, #tpu.memory_space<vmem>>) offsets(%dma_start3A_738 : memref<8xi32, #tpu.memory_space<vmem>>) semaphore(%arg7 : memref<!tpu.dma_semaphore, #tpu.memory_space<semaphore_mem>>)
    %dma_wait3A_743 = arith.constant 1 : i32
    %dma_wait3A_744 = arith.constant 0 : i32
    %dma_wait3A_745 = arith.constant 0 : i32
    %dma_wait3A_746 = arith.constant 0 : i32
    %dma_wait3A_747 = tpu.memref_slice %arg6[%dma_wait3A_743, %dma_wait3A_744, %dma_wait3A_745, %dma_wait3A_746] : memref<5x8x4x768xf32, #tpu.memory_space<vmem>> -> memref<1x8x4x768xf32, #tpu.memory_space<vmem>>
    %dma_wait3A_748 = tpu.memref_squeeze %dma_wait3A_747 : memref<1x8x4x768xf32, #tpu.memory_space<vmem>> -> memref<8x4x768xf32, #tpu.memory_space<vmem>>
    %dma_wait3A_749 = arith.constant 88 : i32
    %dma_wait3A_750 = tpu.memref_slice %arg5[%dma_wait3A_749] : memref<128xi32, #tpu.memory_space<vmem>> -> memref<8xi32, #tpu.memory_space<vmem>>
    %dma_wait3A_751 = arith.constant 0 : i32
    %dma_wait3A_752 = arith.constant 0 : i32
    %dma_wait3A_753 = arith.constant 0 : i32
    %dma_wait3A_754 = tpu.memref_slice %arg3[%dma_wait3A_751, %dma_wait3A_752, %dma_wait3A_753] : memref<100000x4x768xf32, #tpu.memory_space<hbm>> -> memref<100000x4x768xf32, #tpu.memory_space<hbm>>
    tpu.wait_indirect_dma semaphore(%arg8 : memref<!tpu.dma_semaphore, #tpu.memory_space<semaphore_mem>>) src(%dma_wait3A_754 : memref<100000x4x768xf32, #tpu.memory_space<hbm>>) dst(%dma_wait3A_748 : memref<8x4x768xf32, #tpu.memory_space<vmem>>)
    %add3A_755 = arith.constant 88 : i32
    %add3A_756 = arith.addi %mul3A_2, %add3A_755 : i32
    %dma_start3A_757 = arith.constant 1 : i32
    %dma_start3A_758 = arith.constant 0 : i32
    %dma_start3A_759 = arith.constant 0 : i32
    %dma_start3A_760 = arith.constant 0 : i32
    %dma_start3A_761 = tpu.memref_slice %arg6[%dma_start3A_757, %dma_start3A_758, %dma_start3A_759, %dma_start3A_760] : memref<5x8x4x768xf32, #tpu.memory_space<vmem>> -> memref<1x8x4x768xf32, #tpu.memory_space<vmem>>
    %dma_start3A_762 = tpu.memref_squeeze %dma_start3A_761 : memref<1x8x4x768xf32, #tpu.memory_space<vmem>> -> memref<8x4x768xf32, #tpu.memory_space<vmem>>
    %dma_start3A_763 = arith.constant 0 : i32
    %dma_start3A_764 = arith.constant 0 : i32
    %dma_start3A_765 = tpu.memref_slice %arg4[%add3A_756, %dma_start3A_763, %dma_start3A_764] : memref<4096x4x768xf32, #tpu.memory_space<hbm>> -> memref<8x4x768xf32, #tpu.memory_space<hbm>>
    %dma_start3A_766 = arith.constant 0 : i32
    %dma_start3A_767 = arith.constant 0 : i32
    %dma_start3A_768 = tpu.memref_slice %arg4[%add3A_756, %dma_start3A_766, %dma_start3A_767] : memref<4096x4x768xf32, #tpu.memory_space<hbm>> -> memref<8x4x768xf32, #tpu.memory_space<hbm>>
    %dma_start3A_769 = arith.constant 0 : i32
    %dma_start3A_770 = arith.constant 0 : i32
    %dma_start3A_771 = arith.constant 0 : i32
    %dma_start3A_772 = tpu.memref_slice %arg6[%dma_start3A_757, %dma_start3A_769, %dma_start3A_770, %dma_start3A_771] : memref<5x8x4x768xf32, #tpu.memory_space<vmem>> -> memref<1x8x4x768xf32, #tpu.memory_space<vmem>>
    %dma_start3A_773 = tpu.memref_squeeze %dma_start3A_772 : memref<1x8x4x768xf32, #tpu.memory_space<vmem>> -> memref<8x4x768xf32, #tpu.memory_space<vmem>>
    tpu.enqueue_dma source(%dma_start3A_773 : memref<8x4x768xf32, #tpu.memory_space<vmem>>) target(%dma_start3A_768 : memref<8x4x768xf32, #tpu.memory_space<hbm>>) target_semaphore(%arg13 : memref<!tpu.dma_semaphore, #tpu.memory_space<semaphore_mem>>)
    %dma_wait3A_774 = arith.constant 2 : i32
    %dma_wait3A_775 = arith.constant 0 : i32
    %dma_wait3A_776 = arith.constant 0 : i32
    %dma_wait3A_777 = arith.constant 0 : i32
    %dma_wait3A_778 = tpu.memref_slice %arg6[%dma_wait3A_774, %dma_wait3A_775, %dma_wait3A_776, %dma_wait3A_777] : memref<5x8x4x768xf32, #tpu.memory_space<vmem>> -> memref<1x8x4x768xf32, #tpu.memory_space<vmem>>
    %dma_wait3A_779 = tpu.memref_squeeze %dma_wait3A_778 : memref<1x8x4x768xf32, #tpu.memory_space<vmem>> -> memref<8x4x768xf32, #tpu.memory_space<vmem>>
    %dma_wait3A_780 = arith.constant 96 : i32
    %dma_wait3A_781 = tpu.memref_slice %arg5[%dma_wait3A_780] : memref<128xi32, #tpu.memory_space<vmem>> -> memref<8xi32, #tpu.memory_space<vmem>>
    %dma_wait3A_782 = arith.constant 0 : i32
    %dma_wait3A_783 = arith.constant 0 : i32
    %dma_wait3A_784 = arith.constant 0 : i32
    %dma_wait3A_785 = tpu.memref_slice %arg3[%dma_wait3A_782, %dma_wait3A_783, %dma_wait3A_784] : memref<100000x4x768xf32, #tpu.memory_space<hbm>> -> memref<100000x4x768xf32, #tpu.memory_space<hbm>>
    tpu.wait_indirect_dma semaphore(%arg9 : memref<!tpu.dma_semaphore, #tpu.memory_space<semaphore_mem>>) src(%dma_wait3A_785 : memref<100000x4x768xf32, #tpu.memory_space<hbm>>) dst(%dma_wait3A_779 : memref<8x4x768xf32, #tpu.memory_space<vmem>>)
    %add3A_786 = arith.constant 96 : i32
    %add3A_787 = arith.addi %mul3A_2, %add3A_786 : i32
    %dma_start3A_788 = arith.constant 2 : i32
    %dma_start3A_789 = arith.constant 0 : i32
    %dma_start3A_790 = arith.constant 0 : i32
    %dma_start3A_791 = arith.constant 0 : i32
    %dma_start3A_792 = tpu.memref_slice %arg6[%dma_start3A_788, %dma_start3A_789, %dma_start3A_790, %dma_start3A_791] : memref<5x8x4x768xf32, #tpu.memory_space<vmem>> -> memref<1x8x4x768xf32, #tpu.memory_space<vmem>>
    %dma_start3A_793 = tpu.memref_squeeze %dma_start3A_792 : memref<1x8x4x768xf32, #tpu.memory_space<vmem>> -> memref<8x4x768xf32, #tpu.memory_space<vmem>>
    %dma_start3A_794 = arith.constant 0 : i32
    %dma_start3A_795 = arith.constant 0 : i32
    %dma_start3A_796 = tpu.memref_slice %arg4[%add3A_787, %dma_start3A_794, %dma_start3A_795] : memref<4096x4x768xf32, #tpu.memory_space<hbm>> -> memref<8x4x768xf32, #tpu.memory_space<hbm>>
    %dma_start3A_797 = arith.constant 0 : i32
    %dma_start3A_798 = arith.constant 0 : i32
    %dma_start3A_799 = tpu.memref_slice %arg4[%add3A_787, %dma_start3A_797, %dma_start3A_798] : memref<4096x4x768xf32, #tpu.memory_space<hbm>> -> memref<8x4x768xf32, #tpu.memory_space<hbm>>
    %dma_start3A_800 = arith.constant 0 : i32
    %dma_start3A_801 = arith.constant 0 : i32
    %dma_start3A_802 = arith.constant 0 : i32
    %dma_start3A_803 = tpu.memref_slice %arg6[%dma_start3A_788, %dma_start3A_800, %dma_start3A_801, %dma_start3A_802] : memref<5x8x4x768xf32, #tpu.memory_space<vmem>> -> memref<1x8x4x768xf32, #tpu.memory_space<vmem>>
    %dma_start3A_804 = tpu.memref_squeeze %dma_start3A_803 : memref<1x8x4x768xf32, #tpu.memory_space<vmem>> -> memref<8x4x768xf32, #tpu.memory_space<vmem>>
    tpu.enqueue_dma source(%dma_start3A_804 : memref<8x4x768xf32, #tpu.memory_space<vmem>>) target(%dma_start3A_799 : memref<8x4x768xf32, #tpu.memory_space<hbm>>) target_semaphore(%arg14 : memref<!tpu.dma_semaphore, #tpu.memory_space<semaphore_mem>>)
    %dma_wait3A_805 = arith.constant 3 : i32
    %dma_wait3A_806 = arith.constant 0 : i32
    %dma_wait3A_807 = arith.constant 0 : i32
    %dma_wait3A_808 = arith.constant 0 : i32
    %dma_wait3A_809 = tpu.memref_slice %arg6[%dma_wait3A_805, %dma_wait3A_806, %dma_wait3A_807, %dma_wait3A_808] : memref<5x8x4x768xf32, #tpu.memory_space<vmem>> -> memref<1x8x4x768xf32, #tpu.memory_space<vmem>>
    %dma_wait3A_810 = tpu.memref_squeeze %dma_wait3A_809 : memref<1x8x4x768xf32, #tpu.memory_space<vmem>> -> memref<8x4x768xf32, #tpu.memory_space<vmem>>
    %dma_wait3A_811 = arith.constant 104 : i32
    %dma_wait3A_812 = tpu.memref_slice %arg5[%dma_wait3A_811] : memref<128xi32, #tpu.memory_space<vmem>> -> memref<8xi32, #tpu.memory_space<vmem>>
    %dma_wait3A_813 = arith.constant 0 : i32
    %dma_wait3A_814 = arith.constant 0 : i32
    %dma_wait3A_815 = arith.constant 0 : i32
    %dma_wait3A_816 = tpu.memref_slice %arg3[%dma_wait3A_813, %dma_wait3A_814, %dma_wait3A_815] : memref<100000x4x768xf32, #tpu.memory_space<hbm>> -> memref<100000x4x768xf32, #tpu.memory_space<hbm>>
    tpu.wait_indirect_dma semaphore(%arg10 : memref<!tpu.dma_semaphore, #tpu.memory_space<semaphore_mem>>) src(%dma_wait3A_816 : memref<100000x4x768xf32, #tpu.memory_space<hbm>>) dst(%dma_wait3A_810 : memref<8x4x768xf32, #tpu.memory_space<vmem>>)
    %add3A_817 = arith.constant 104 : i32
    %add3A_818 = arith.addi %mul3A_2, %add3A_817 : i32
    %dma_start3A_819 = arith.constant 3 : i32
    %dma_start3A_820 = arith.constant 0 : i32
    %dma_start3A_821 = arith.constant 0 : i32
    %dma_start3A_822 = arith.constant 0 : i32
    %dma_start3A_823 = tpu.memref_slice %arg6[%dma_start3A_819, %dma_start3A_820, %dma_start3A_821, %dma_start3A_822] : memref<5x8x4x768xf32, #tpu.memory_space<vmem>> -> memref<1x8x4x768xf32, #tpu.memory_space<vmem>>
    %dma_start3A_824 = tpu.memref_squeeze %dma_start3A_823 : memref<1x8x4x768xf32, #tpu.memory_space<vmem>> -> memref<8x4x768xf32, #tpu.memory_space<vmem>>
    %dma_start3A_825 = arith.constant 0 : i32
    %dma_start3A_826 = arith.constant 0 : i32
    %dma_start3A_827 = tpu.memref_slice %arg4[%add3A_818, %dma_start3A_825, %dma_start3A_826] : memref<4096x4x768xf32, #tpu.memory_space<hbm>> -> memref<8x4x768xf32, #tpu.memory_space<hbm>>
    %dma_start3A_828 = arith.constant 0 : i32
    %dma_start3A_829 = arith.constant 0 : i32
    %dma_start3A_830 = tpu.memref_slice %arg4[%add3A_818, %dma_start3A_828, %dma_start3A_829] : memref<4096x4x768xf32, #tpu.memory_space<hbm>> -> memref<8x4x768xf32, #tpu.memory_space<hbm>>
    %dma_start3A_831 = arith.constant 0 : i32
    %dma_start3A_832 = arith.constant 0 : i32
    %dma_start3A_833 = arith.constant 0 : i32
    %dma_start3A_834 = tpu.memref_slice %arg6[%dma_start3A_819, %dma_start3A_831, %dma_start3A_832, %dma_start3A_833] : memref<5x8x4x768xf32, #tpu.memory_space<vmem>> -> memref<1x8x4x768xf32, #tpu.memory_space<vmem>>
    %dma_start3A_835 = tpu.memref_squeeze %dma_start3A_834 : memref<1x8x4x768xf32, #tpu.memory_space<vmem>> -> memref<8x4x768xf32, #tpu.memory_space<vmem>>
    tpu.enqueue_dma source(%dma_start3A_835 : memref<8x4x768xf32, #tpu.memory_space<vmem>>) target(%dma_start3A_830 : memref<8x4x768xf32, #tpu.memory_space<hbm>>) target_semaphore(%arg15 : memref<!tpu.dma_semaphore, #tpu.memory_space<semaphore_mem>>)
    %dma_wait3A_836 = arith.constant 4 : i32
    %dma_wait3A_837 = arith.constant 0 : i32
    %dma_wait3A_838 = arith.constant 0 : i32
    %dma_wait3A_839 = arith.constant 0 : i32
    %dma_wait3A_840 = tpu.memref_slice %arg6[%dma_wait3A_836, %dma_wait3A_837, %dma_wait3A_838, %dma_wait3A_839] : memref<5x8x4x768xf32, #tpu.memory_space<vmem>> -> memref<1x8x4x768xf32, #tpu.memory_space<vmem>>
    %dma_wait3A_841 = tpu.memref_squeeze %dma_wait3A_840 : memref<1x8x4x768xf32, #tpu.memory_space<vmem>> -> memref<8x4x768xf32, #tpu.memory_space<vmem>>
    %dma_wait3A_842 = arith.constant 112 : i32
    %dma_wait3A_843 = tpu.memref_slice %arg5[%dma_wait3A_842] : memref<128xi32, #tpu.memory_space<vmem>> -> memref<8xi32, #tpu.memory_space<vmem>>
    %dma_wait3A_844 = arith.constant 0 : i32
    %dma_wait3A_845 = arith.constant 0 : i32
    %dma_wait3A_846 = arith.constant 0 : i32
    %dma_wait3A_847 = tpu.memref_slice %arg3[%dma_wait3A_844, %dma_wait3A_845, %dma_wait3A_846] : memref<100000x4x768xf32, #tpu.memory_space<hbm>> -> memref<100000x4x768xf32, #tpu.memory_space<hbm>>
    tpu.wait_indirect_dma semaphore(%arg11 : memref<!tpu.dma_semaphore, #tpu.memory_space<semaphore_mem>>) src(%dma_wait3A_847 : memref<100000x4x768xf32, #tpu.memory_space<hbm>>) dst(%dma_wait3A_841 : memref<8x4x768xf32, #tpu.memory_space<vmem>>)
    %add3A_848 = arith.constant 112 : i32
    %add3A_849 = arith.addi %mul3A_2, %add3A_848 : i32
    %dma_start3A_850 = arith.constant 4 : i32
    %dma_start3A_851 = arith.constant 0 : i32
    %dma_start3A_852 = arith.constant 0 : i32
    %dma_start3A_853 = arith.constant 0 : i32
    %dma_start3A_854 = tpu.memref_slice %arg6[%dma_start3A_850, %dma_start3A_851, %dma_start3A_852, %dma_start3A_853] : memref<5x8x4x768xf32, #tpu.memory_space<vmem>> -> memref<1x8x4x768xf32, #tpu.memory_space<vmem>>
    %dma_start3A_855 = tpu.memref_squeeze %dma_start3A_854 : memref<1x8x4x768xf32, #tpu.memory_space<vmem>> -> memref<8x4x768xf32, #tpu.memory_space<vmem>>
    %dma_start3A_856 = arith.constant 0 : i32
    %dma_start3A_857 = arith.constant 0 : i32
    %dma_start3A_858 = tpu.memref_slice %arg4[%add3A_849, %dma_start3A_856, %dma_start3A_857] : memref<4096x4x768xf32, #tpu.memory_space<hbm>> -> memref<8x4x768xf32, #tpu.memory_space<hbm>>
    %dma_start3A_859 = arith.constant 0 : i32
    %dma_start3A_860 = arith.constant 0 : i32
    %dma_start3A_861 = tpu.memref_slice %arg4[%add3A_849, %dma_start3A_859, %dma_start3A_860] : memref<4096x4x768xf32, #tpu.memory_space<hbm>> -> memref<8x4x768xf32, #tpu.memory_space<hbm>>
    %dma_start3A_862 = arith.constant 0 : i32
    %dma_start3A_863 = arith.constant 0 : i32
    %dma_start3A_864 = arith.constant 0 : i32
    %dma_start3A_865 = tpu.memref_slice %arg6[%dma_start3A_850, %dma_start3A_862, %dma_start3A_863, %dma_start3A_864] : memref<5x8x4x768xf32, #tpu.memory_space<vmem>> -> memref<1x8x4x768xf32, #tpu.memory_space<vmem>>
    %dma_start3A_866 = tpu.memref_squeeze %dma_start3A_865 : memref<1x8x4x768xf32, #tpu.memory_space<vmem>> -> memref<8x4x768xf32, #tpu.memory_space<vmem>>
    tpu.enqueue_dma source(%dma_start3A_866 : memref<8x4x768xf32, #tpu.memory_space<vmem>>) target(%dma_start3A_861 : memref<8x4x768xf32, #tpu.memory_space<hbm>>) target_semaphore(%arg16 : memref<!tpu.dma_semaphore, #tpu.memory_space<semaphore_mem>>)
    %dma_wait3A_867 = arith.constant 0 : i32
    %dma_wait3A_868 = arith.constant 0 : i32
    %dma_wait3A_869 = arith.constant 0 : i32
    %dma_wait3A_870 = arith.constant 0 : i32
    %dma_wait3A_871 = tpu.memref_slice %arg6[%dma_wait3A_867, %dma_wait3A_868, %dma_wait3A_869, %dma_wait3A_870] : memref<5x8x4x768xf32, #tpu.memory_space<vmem>> -> memref<1x8x4x768xf32, #tpu.memory_space<vmem>>
    %dma_wait3A_872 = tpu.memref_squeeze %dma_wait3A_871 : memref<1x8x4x768xf32, #tpu.memory_space<vmem>> -> memref<8x4x768xf32, #tpu.memory_space<vmem>>
    %dma_wait3A_873 = arith.constant 120 : i32
    %dma_wait3A_874 = tpu.memref_slice %arg5[%dma_wait3A_873] : memref<128xi32, #tpu.memory_space<vmem>> -> memref<8xi32, #tpu.memory_space<vmem>>
    %dma_wait3A_875 = arith.constant 0 : i32
    %dma_wait3A_876 = arith.constant 0 : i32
    %dma_wait3A_877 = arith.constant 0 : i32
    %dma_wait3A_878 = tpu.memref_slice %arg3[%dma_wait3A_875, %dma_wait3A_876, %dma_wait3A_877] : memref<100000x4x768xf32, #tpu.memory_space<hbm>> -> memref<100000x4x768xf32, #tpu.memory_space<hbm>>
    tpu.wait_indirect_dma semaphore(%arg7 : memref<!tpu.dma_semaphore, #tpu.memory_space<semaphore_mem>>) src(%dma_wait3A_878 : memref<100000x4x768xf32, #tpu.memory_space<hbm>>) dst(%dma_wait3A_872 : memref<8x4x768xf32, #tpu.memory_space<vmem>>)
    %add3A_879 = arith.constant 120 : i32
    %add3A_880 = arith.addi %mul3A_2, %add3A_879 : i32
    %dma_start3A_881 = arith.constant 0 : i32
    %dma_start3A_882 = arith.constant 0 : i32
    %dma_start3A_883 = arith.constant 0 : i32
    %dma_start3A_884 = arith.constant 0 : i32
    %dma_start3A_885 = tpu.memref_slice %arg6[%dma_start3A_881, %dma_start3A_882, %dma_start3A_883, %dma_start3A_884] : memref<5x8x4x768xf32, #tpu.memory_space<vmem>> -> memref<1x8x4x768xf32, #tpu.memory_space<vmem>>
    %dma_start3A_886 = tpu.memref_squeeze %dma_start3A_885 : memref<1x8x4x768xf32, #tpu.memory_space<vmem>> -> memref<8x4x768xf32, #tpu.memory_space<vmem>>
    %dma_start3A_887 = arith.constant 0 : i32
    %dma_start3A_888 = arith.constant 0 : i32
    %dma_start3A_889 = tpu.memref_slice %arg4[%add3A_880, %dma_start3A_887, %dma_start3A_888] : memref<4096x4x768xf32, #tpu.memory_space<hbm>> -> memref<8x4x768xf32, #tpu.memory_space<hbm>>
    %dma_start3A_890 = arith.constant 0 : i32
    %dma_start3A_891 = arith.constant 0 : i32
    %dma_start3A_892 = tpu.memref_slice %arg4[%add3A_880, %dma_start3A_890, %dma_start3A_891] : memref<4096x4x768xf32, #tpu.memory_space<hbm>> -> memref<8x4x768xf32, #tpu.memory_space<hbm>>
    %dma_start3A_893 = arith.constant 0 : i32
    %dma_start3A_894 = arith.constant 0 : i32
    %dma_start3A_895 = arith.constant 0 : i32
    %dma_start3A_896 = tpu.memref_slice %arg6[%dma_start3A_881, %dma_start3A_893, %dma_start3A_894, %dma_start3A_895] : memref<5x8x4x768xf32, #tpu.memory_space<vmem>> -> memref<1x8x4x768xf32, #tpu.memory_space<vmem>>
    %dma_start3A_897 = tpu.memref_squeeze %dma_start3A_896 : memref<1x8x4x768xf32, #tpu.memory_space<vmem>> -> memref<8x4x768xf32, #tpu.memory_space<vmem>>
    tpu.enqueue_dma source(%dma_start3A_897 : memref<8x4x768xf32, #tpu.memory_space<vmem>>) target(%dma_start3A_892 : memref<8x4x768xf32, #tpu.memory_space<hbm>>) target_semaphore(%arg12 : memref<!tpu.dma_semaphore, #tpu.memory_space<semaphore_mem>>)
    %add3A_898 = arith.constant 88 : i32
    %add3A_899 = arith.addi %mul3A_2, %add3A_898 : i32
    %dma_wait3A_900 = arith.constant 1 : i32
    %dma_wait3A_901 = arith.constant 0 : i32
    %dma_wait3A_902 = arith.constant 0 : i32
    %dma_wait3A_903 = arith.constant 0 : i32
    %dma_wait3A_904 = tpu.memref_slice %arg6[%dma_wait3A_900, %dma_wait3A_901, %dma_wait3A_902, %dma_wait3A_903] : memref<5x8x4x768xf32, #tpu.memory_space<vmem>> -> memref<1x8x4x768xf32, #tpu.memory_space<vmem>>
    %dma_wait3A_905 = tpu.memref_squeeze %dma_wait3A_904 : memref<1x8x4x768xf32, #tpu.memory_space<vmem>> -> memref<8x4x768xf32, #tpu.memory_space<vmem>>
    %dma_wait3A_906 = arith.constant 0 : i32
    %dma_wait3A_907 = arith.constant 0 : i32
    %dma_wait3A_908 = tpu.memref_slice %arg4[%add3A_899, %dma_wait3A_906, %dma_wait3A_907] : memref<4096x4x768xf32, #tpu.memory_space<hbm>> -> memref<8x4x768xf32, #tpu.memory_space<hbm>>
    %dma_wait3A_909 = arith.constant 0 : i32
    %dma_wait3A_910 = arith.constant 0 : i32
    %dma_wait3A_911 = tpu.memref_slice %arg4[%add3A_899, %dma_wait3A_909, %dma_wait3A_910] : memref<4096x4x768xf32, #tpu.memory_space<hbm>> -> memref<8x4x768xf32, #tpu.memory_space<hbm>>
    %dma_wait3A_912 = arith.constant 0 : i32
    %dma_wait3A_913 = arith.constant 0 : i32
    %dma_wait3A_914 = arith.constant 0 : i32
    %dma_wait3A_915 = tpu.memref_slice %arg6[%dma_wait3A_900, %dma_wait3A_912, %dma_wait3A_913, %dma_wait3A_914] : memref<5x8x4x768xf32, #tpu.memory_space<vmem>> -> memref<1x8x4x768xf32, #tpu.memory_space<vmem>>
    %dma_wait3A_916 = tpu.memref_squeeze %dma_wait3A_915 : memref<1x8x4x768xf32, #tpu.memory_space<vmem>> -> memref<8x4x768xf32, #tpu.memory_space<vmem>>
    tpu.wait_dma2 semaphore(%arg13 : memref<!tpu.dma_semaphore, #tpu.memory_space<semaphore_mem>>) src(%dma_wait3A_916 : memref<8x4x768xf32, #tpu.memory_space<vmem>>) dst(%dma_wait3A_911 : memref<8x4x768xf32, #tpu.memory_space<hbm>>)
    %add3A_917 = arith.constant 96 : i32
    %add3A_918 = arith.addi %mul3A_2, %add3A_917 : i32
    %dma_wait3A_919 = arith.constant 2 : i32
    %dma_wait3A_920 = arith.constant 0 : i32
    %dma_wait3A_921 = arith.constant 0 : i32
    %dma_wait3A_922 = arith.constant 0 : i32
    %dma_wait3A_923 = tpu.memref_slice %arg6[%dma_wait3A_919, %dma_wait3A_920, %dma_wait3A_921, %dma_wait3A_922] : memref<5x8x4x768xf32, #tpu.memory_space<vmem>> -> memref<1x8x4x768xf32, #tpu.memory_space<vmem>>
    %dma_wait3A_924 = tpu.memref_squeeze %dma_wait3A_923 : memref<1x8x4x768xf32, #tpu.memory_space<vmem>> -> memref<8x4x768xf32, #tpu.memory_space<vmem>>
    %dma_wait3A_925 = arith.constant 0 : i32
    %dma_wait3A_926 = arith.constant 0 : i32
    %dma_wait3A_927 = tpu.memref_slice %arg4[%add3A_918, %dma_wait3A_925, %dma_wait3A_926] : memref<4096x4x768xf32, #tpu.memory_space<hbm>> -> memref<8x4x768xf32, #tpu.memory_space<hbm>>
    %dma_wait3A_928 = arith.constant 0 : i32
    %dma_wait3A_929 = arith.constant 0 : i32
    %dma_wait3A_930 = tpu.memref_slice %arg4[%add3A_918, %dma_wait3A_928, %dma_wait3A_929] : memref<4096x4x768xf32, #tpu.memory_space<hbm>> -> memref<8x4x768xf32, #tpu.memory_space<hbm>>
    %dma_wait3A_931 = arith.constant 0 : i32
    %dma_wait3A_932 = arith.constant 0 : i32
    %dma_wait3A_933 = arith.constant 0 : i32
    %dma_wait3A_934 = tpu.memref_slice %arg6[%dma_wait3A_919, %dma_wait3A_931, %dma_wait3A_932, %dma_wait3A_933] : memref<5x8x4x768xf32, #tpu.memory_space<vmem>> -> memref<1x8x4x768xf32, #tpu.memory_space<vmem>>
    %dma_wait3A_935 = tpu.memref_squeeze %dma_wait3A_934 : memref<1x8x4x768xf32, #tpu.memory_space<vmem>> -> memref<8x4x768xf32, #tpu.memory_space<vmem>>
    tpu.wait_dma2 semaphore(%arg14 : memref<!tpu.dma_semaphore, #tpu.memory_space<semaphore_mem>>) src(%dma_wait3A_935 : memref<8x4x768xf32, #tpu.memory_space<vmem>>) dst(%dma_wait3A_930 : memref<8x4x768xf32, #tpu.memory_space<hbm>>)
    %add3A_936 = arith.constant 104 : i32
    %add3A_937 = arith.addi %mul3A_2, %add3A_936 : i32
    %dma_wait3A_938 = arith.constant 3 : i32
    %dma_wait3A_939 = arith.constant 0 : i32
    %dma_wait3A_940 = arith.constant 0 : i32
    %dma_wait3A_941 = arith.constant 0 : i32
    %dma_wait3A_942 = tpu.memref_slice %arg6[%dma_wait3A_938, %dma_wait3A_939, %dma_wait3A_940, %dma_wait3A_941] : memref<5x8x4x768xf32, #tpu.memory_space<vmem>> -> memref<1x8x4x768xf32, #tpu.memory_space<vmem>>
    %dma_wait3A_943 = tpu.memref_squeeze %dma_wait3A_942 : memref<1x8x4x768xf32, #tpu.memory_space<vmem>> -> memref<8x4x768xf32, #tpu.memory_space<vmem>>
    %dma_wait3A_944 = arith.constant 0 : i32
    %dma_wait3A_945 = arith.constant 0 : i32
    %dma_wait3A_946 = tpu.memref_slice %arg4[%add3A_937, %dma_wait3A_944, %dma_wait3A_945] : memref<4096x4x768xf32, #tpu.memory_space<hbm>> -> memref<8x4x768xf32, #tpu.memory_space<hbm>>
    %dma_wait3A_947 = arith.constant 0 : i32
    %dma_wait3A_948 = arith.constant 0 : i32
    %dma_wait3A_949 = tpu.memref_slice %arg4[%add3A_937, %dma_wait3A_947, %dma_wait3A_948] : memref<4096x4x768xf32, #tpu.memory_space<hbm>> -> memref<8x4x768xf32, #tpu.memory_space<hbm>>
    %dma_wait3A_950 = arith.constant 0 : i32
    %dma_wait3A_951 = arith.constant 0 : i32
    %dma_wait3A_952 = arith.constant 0 : i32
    %dma_wait3A_953 = tpu.memref_slice %arg6[%dma_wait3A_938, %dma_wait3A_950, %dma_wait3A_951, %dma_wait3A_952] : memref<5x8x4x768xf32, #tpu.memory_space<vmem>> -> memref<1x8x4x768xf32, #tpu.memory_space<vmem>>
    %dma_wait3A_954 = tpu.memref_squeeze %dma_wait3A_953 : memref<1x8x4x768xf32, #tpu.memory_space<vmem>> -> memref<8x4x768xf32, #tpu.memory_space<vmem>>
    tpu.wait_dma2 semaphore(%arg15 : memref<!tpu.dma_semaphore, #tpu.memory_space<semaphore_mem>>) src(%dma_wait3A_954 : memref<8x4x768xf32, #tpu.memory_space<vmem>>) dst(%dma_wait3A_949 : memref<8x4x768xf32, #tpu.memory_space<hbm>>)
    %add3A_955 = arith.constant 112 : i32
    %add3A_956 = arith.addi %mul3A_2, %add3A_955 : i32
    %dma_wait3A_957 = arith.constant 4 : i32
    %dma_wait3A_958 = arith.constant 0 : i32
    %dma_wait3A_959 = arith.constant 0 : i32
    %dma_wait3A_960 = arith.constant 0 : i32
    %dma_wait3A_961 = tpu.memref_slice %arg6[%dma_wait3A_957, %dma_wait3A_958, %dma_wait3A_959, %dma_wait3A_960] : memref<5x8x4x768xf32, #tpu.memory_space<vmem>> -> memref<1x8x4x768xf32, #tpu.memory_space<vmem>>
    %dma_wait3A_962 = tpu.memref_squeeze %dma_wait3A_961 : memref<1x8x4x768xf32, #tpu.memory_space<vmem>> -> memref<8x4x768xf32, #tpu.memory_space<vmem>>
    %dma_wait3A_963 = arith.constant 0 : i32
    %dma_wait3A_964 = arith.constant 0 : i32
    %dma_wait3A_965 = tpu.memref_slice %arg4[%add3A_956, %dma_wait3A_963, %dma_wait3A_964] : memref<4096x4x768xf32, #tpu.memory_space<hbm>> -> memref<8x4x768xf32, #tpu.memory_space<hbm>>
    %dma_wait3A_966 = arith.constant 0 : i32
    %dma_wait3A_967 = arith.constant 0 : i32
    %dma_wait3A_968 = tpu.memref_slice %arg4[%add3A_956, %dma_wait3A_966, %dma_wait3A_967] : memref<4096x4x768xf32, #tpu.memory_space<hbm>> -> memref<8x4x768xf32, #tpu.memory_space<hbm>>
    %dma_wait3A_969 = arith.constant 0 : i32
    %dma_wait3A_970 = arith.constant 0 : i32
    %dma_wait3A_971 = arith.constant 0 : i32
    %dma_wait3A_972 = tpu.memref_slice %arg6[%dma_wait3A_957, %dma_wait3A_969, %dma_wait3A_970, %dma_wait3A_971] : memref<5x8x4x768xf32, #tpu.memory_space<vmem>> -> memref<1x8x4x768xf32, #tpu.memory_space<vmem>>
    %dma_wait3A_973 = tpu.memref_squeeze %dma_wait3A_972 : memref<1x8x4x768xf32, #tpu.memory_space<vmem>> -> memref<8x4x768xf32, #tpu.memory_space<vmem>>
    tpu.wait_dma2 semaphore(%arg16 : memref<!tpu.dma_semaphore, #tpu.memory_space<semaphore_mem>>) src(%dma_wait3A_973 : memref<8x4x768xf32, #tpu.memory_space<vmem>>) dst(%dma_wait3A_968 : memref<8x4x768xf32, #tpu.memory_space<hbm>>)
    %add3A_974 = arith.constant 120 : i32
    %add3A_975 = arith.addi %mul3A_2, %add3A_974 : i32
    %dma_wait3A_976 = arith.constant 0 : i32
    %dma_wait3A_977 = arith.constant 0 : i32
    %dma_wait3A_978 = arith.constant 0 : i32
    %dma_wait3A_979 = arith.constant 0 : i32
    %dma_wait3A_980 = tpu.memref_slice %arg6[%dma_wait3A_976, %dma_wait3A_977, %dma_wait3A_978, %dma_wait3A_979] : memref<5x8x4x768xf32, #tpu.memory_space<vmem>> -> memref<1x8x4x768xf32, #tpu.memory_space<vmem>>
    %dma_wait3A_981 = tpu.memref_squeeze %dma_wait3A_980 : memref<1x8x4x768xf32, #tpu.memory_space<vmem>> -> memref<8x4x768xf32, #tpu.memory_space<vmem>>
    %dma_wait3A_982 = arith.constant 0 : i32
    %dma_wait3A_983 = arith.constant 0 : i32
    %dma_wait3A_984 = tpu.memref_slice %arg4[%add3A_975, %dma_wait3A_982, %dma_wait3A_983] : memref<4096x4x768xf32, #tpu.memory_space<hbm>> -> memref<8x4x768xf32, #tpu.memory_space<hbm>>
    %dma_wait3A_985 = arith.constant 0 : i32
    %dma_wait3A_986 = arith.constant 0 : i32
    %dma_wait3A_987 = tpu.memref_slice %arg4[%add3A_975, %dma_wait3A_985, %dma_wait3A_986] : memref<4096x4x768xf32, #tpu.memory_space<hbm>> -> memref<8x4x768xf32, #tpu.memory_space<hbm>>
    %dma_wait3A_988 = arith.constant 0 : i32
    %dma_wait3A_989 = arith.constant 0 : i32
    %dma_wait3A_990 = arith.constant 0 : i32
    %dma_wait3A_991 = tpu.memref_slice %arg6[%dma_wait3A_976, %dma_wait3A_988, %dma_wait3A_989, %dma_wait3A_990] : memref<5x8x4x768xf32, #tpu.memory_space<vmem>> -> memref<1x8x4x768xf32, #tpu.memory_space<vmem>>
    %dma_wait3A_992 = tpu.memref_squeeze %dma_wait3A_991 : memref<1x8x4x768xf32, #tpu.memory_space<vmem>> -> memref<8x4x768xf32, #tpu.memory_space<vmem>>
    tpu.wait_dma2 semaphore(%arg12 : memref<!tpu.dma_semaphore, #tpu.memory_space<semaphore_mem>>) src(%dma_wait3A_992 : memref<8x4x768xf32, #tpu.memory_space<vmem>>) dst(%dma_wait3A_987 : memref<8x4x768xf32, #tpu.memory_space<hbm>>)
    return
  }
}

</mosaic_0001>

<sc_bundles>
// kernel: kernel.3.cloned.1.call-start
scs
__scs_entry_jumppad:
0x0: {  	(pc) =	sbr.rel $0x88, $3  }
0x1: {  	(tag) =	ssettag $0x0;
	lr =	simm.s32 $0x1  }
0x2: {  	[smem:$0x3F9F] =	sst lr;
	_ =	strace $0xD0000000  }
0x3: {  	_ = 	snop  }
0x4: {  	_ = 	snop  }
0x5: {  	_ = 	snop  }
0x6: {  	_ = 	snop  }
0x7: {  	_ = 	snop  }
__scs_overlays_trampoline_lowered:
0x8: {  	[smem:$0x3FAE] =	sst s0  }
0x9: {  	[smem:$0x3FAF] =	sst s1  }
0xa: {  	[smem:$0x3FB0] =	sst s2  }
0xb: {  	[smem:$0x3FB1] =	sst s3  }
0xc: {  	[smem:$0x3FB2] =	sst s4  }
0xd: {  	[smem:$0x3FB3] =	sst s5  }
0xe: {  	[smem:$0x3FB4] =	sst s6  }
0xf: {  	[smem:$0x3FB5] =	sst s7  }
0x10: {  	[smem:$0x3FB6] =	sst s8  }
0x11: {  	[smem:$0x3FB7] =	sst s9;
	s0 =	simm.s32 @!p0 $0x0  }
0x12: {  	s1 =	sld [smem:$0x3F9D];
	s0 =	simm.s32 @p0 $0x1  }
0x13: {  	[smem:$0x3FB8] =	sst s0;
	s0 =	simm.s32 @!p1 $0x0  }
0x14: {  	s2 =	sld [smem:$0x3F9C];
	s0 =	simm.s32 @p1 $0x1  }
0x15: {  	[smem:$0x3FB9] =	sst s0;
	s0 =	simm.s32 @!p2 $0x0  }
0x16: {  	s3 =	sld [smem:$0x3FDB];
	s0 =	simm.s32 @p2 $0x1  }
0x17: {  	s4 =	simm.s32 $0x1BF5;
	[smem:$0x3FBB] =	sst s0  }
0x18: {  	s0 =	sld [smem:$0x3F9E];
	_ =	swait.ge [sflag:s4], $0x0  }
0x19: {  	s7 =	sld [smem:$0x3F9F]  }
0x1a: {  	s8 =	sadd.s32 $0xFFFFE003, lr  }
0x1b: {  	s9 =	sadd.s32 $0xFFFFFEF7, lr;
	s5 =	simm.s32 $0xFFFFFFFF;
	p2 =	slt.u32 s8, $0xFFFFF086  }
0x1c: {  	p1 =	slt.u32 s9, $0xF7A;
	s5 =	simm.s32 @!p2 $0x0  }
0x1d: {  	s5 =	simm.s32 @p1 $0x1;
	p0 =	seq.s32 s7, s2  }
0x1e: {  	s7 =	smul.u32 @!p0 $0xF7A, s2;
	p2 =	seq.s32 @!p0 s5, $0x0  }
0x1f: {  	s9 =	smul.u32 $0xF7A, s1;
	s8 =	simm.s32 @!p0 $0x1BF5;
	p2 =	por !p2, p0  }
0x20: {  	[sflag:s8] =	ssyncset.s32 @!p0 $0xFFFFF086;
	s6 =	sadd.s32 @!p0 s3, s7;
	s7 =	simm.s32 @!p0 $0x108  }
0x21: {  	s3 =	sadd.s32 s3, s9;
	s6 =	sadd.s32 @!p0 $0x88, s6;
	s7 =	simm.s32 @p2 $0x1082  }
0x22: {  	[simem:s7], [sflag:s8] =	dma.local @!p0 [hbm:s6], $0xF7A  }
0x23: {  	s9 =	sor.u32 $0xD0000000, s2;
	s6 =	simm.s32 $0x108;
	_ =	swait.ge @!p0 [sflag:s8], $0x0  }
0x24: {  	s3 =	sadd.s32 $0x88, s3;
	s6 =	simm.s32 @!p1 $0x1082;
	[sflag:s4] =	ssyncset.s32 $0xFFFFF086  }
0x25: {  	[simem:s6], [sflag:s4] =	dma.local [hbm:s3], $0xF7A  }
0x26: {  	[smem:$0x3F9F] =	sst s1;
	(tag) =	ssettag s2;
	_ =	strace s9  }
0x27: {  	s1 =	sld [smem:$0x3FAF]  }
0x28: {  	s2 =	sld [smem:$0x3FB0]  }
0x29: {  	s4 =	sld [smem:$0x3FB2]  }
0x2a: {  	p0 =	seq.s32 s5, $0x0;
	s5 =	sld [smem:$0x3FB3]  }
0x2b: {  	s6 =	sld [smem:$0x3FB4]  }
0x2c: {  	s7 =	sld [smem:$0x3FB5]  }
0x2d: {  	s3 =	simm.s32 $0x108;
	s8 =	sld [smem:$0x3FB6]  }
0x2e: {  	s3 =	simm.s32 @!p0 $0x1082;
	s9 =	sld [smem:$0x3FB7]  }
0x2f: {  	lr =	sadd.s32 s0, s3;
	s0 =	sld [smem:$0x3FAE]  }
0x30: {  	s3 =	sld [smem:$0x3FB1]  }
0x31: {  	[smem:$0x3FBA] =	sst s10  }
0x32: {  	s10 =	sld [smem:$0x3FB8];
	_ =	sdelay $0x3  }
0x33: {  	p0 =	seq.s32 s10, $0x1;
	s10 =	sld [smem:$0x3FBA];
	_ =	sdelay $0x3  }
0x34: {  	[smem:$0x3FBA] =	sst s10  }
0x35: {  	s10 =	sld [smem:$0x3FB9];
	_ =	sdelay $0x3  }
0x36: {  	p1 =	seq.s32 s10, $0x1;
	s10 =	sld [smem:$0x3FBA];
	_ =	sdelay $0x3  }
0x37: {  	[smem:$0x3FBA] =	sst s10  }
0x38: {  	s10 =	sld [smem:$0x3FBB]  }
0x39: {  	_ = 	snop;
	(pc) =	sbr.ind lr, $3  }
0x3a: {  	_ = 	snop  }
0x3b: {  	_ = 	snop  }
0x3c: {  	p2 =	seq.s32 s10, $0x1;
	s10 =	sld [smem:$0x3FBA]  }
0x3d: {  	_ =	shalt  }
0x3e: {  	_ =	shalt  }
0x3f: {  	_ =	shalt  }
0x40: {  	_ =	shalt  }
0x41: {  	_ =	shalt  }
0x42: {  	_ =	shalt  }
0x43: {  	_ =	shalt  }
0x44: {  	_ =	shalt  }
0x45: {  	_ =	shalt  }
0x46: {  	_ =	shalt  }
0x47: {  	_ =	shalt  }
0x48: {  	_ =	shalt  }
0x49: {  	_ =	shalt  }
0x4a: {  	_ =	shalt  }
0x4b: {  	_ =	shalt  }
0x4c: {  	_ =	shalt  }
0x4d: {  	_ =	shalt  }
0x4e: {  	_ =	shalt  }
0x4f: {  	_ =	shalt  }
0x50: {  	_ =	shalt  }
0x51: {  	_ =	shalt  }
0x52: {  	_ =	shalt  }
0x53: {  	_ =	shalt  }
0x54: {  	_ =	shalt  }
0x55: {  	_ =	shalt  }
0x56: {  	_ =	shalt  }
0x57: {  	_ =	shalt  }
0x58: {  	_ =	shalt  }
0x59: {  	_ =	shalt  }
0x5a: {  	_ =	shalt  }
0x5b: {  	_ =	shalt  }
0x5c: {  	_ =	shalt  }
0x5d: {  	_ =	shalt  }
0x5e: {  	_ =	shalt  }
0x5f: {  	_ =	shalt  }
0x60: {  	_ =	shalt  }
0x61: {  	_ =	shalt  }
0x62: {  	_ =	shalt  }
0x63: {  	_ =	shalt  }
0x64: {  	_ =	shalt  }
0x65: {  	_ =	shalt  }
0x66: {  	_ =	shalt  }
0x67: {  	_ =	shalt  }
0x68: {  	_ =	shalt  }
0x69: {  	_ =	shalt  }
0x6a: {  	_ =	shalt  }
0x6b: {  	_ =	shalt  }
0x6c: {  	_ =	shalt  }
0x6d: {  	_ =	shalt  }
0x6e: {  	_ =	shalt  }
0x6f: {  	_ =	shalt  }
0x70: {  	_ =	shalt  }
0x71: {  	_ =	shalt  }
0x72: {  	_ =	shalt  }
0x73: {  	_ =	shalt  }
0x74: {  	_ =	shalt  }
0x75: {  	_ =	shalt  }
0x76: {  	_ =	shalt  }
0x77: {  	_ =	shalt  }
0x78: {  	_ =	shalt  }
0x79: {  	_ =	shalt  }
0x7a: {  	_ =	shalt  }
0x7b: {  	_ =	shalt  }
0x7c: {  	_ =	shalt  }
0x7d: {  	_ =	shalt  }
0x7e: {  	_ =	shalt  }
0x7f: {  	_ =	shalt  }
0x80: {  	_ =	shalt  }
0x81: {  	_ =	shalt  }
0x82: {  	_ =	shalt  }
0x83: {  	_ =	shalt  }
0x84: {  	_ =	shalt  }
0x85: {  	_ =	shalt  }
0x86: {  	_ =	shalt  }
0x87: {  	_ =	shalt  }
.Lfunc_end0:
.L_simem_size_0:
called_computation_lowered:
.L_overlay_start_0:
0x88: {  	s2 =	sld [smem:$0x3FD9]  }
0x89: {  	s3 =	sld [smem:$0x3FFE];
	_ =	sdelay $0x1  }
0x8a: {  	s1 =	srdreg.scid  }
0x8b: {  	s0 =	sand.u32 $0x1, s1  }
0x8c: {  	s18 =	sshll.u32 s0, $0xA;
	s2 =	sadd.s32 s3, s2  }
0x8d: {  	s2 =	sadd.s32 s2, s18  }
0x8e: {  	[smem:$0x3FC6] =	sst s2  }
0x8f: {  	_ = 	snop  }
0x90: {  	s2 =	sld [smem:$0x3FC9]  }
0x91: {  	s19 =	sld [smem:$0x3FC8]  }
0x92: {  	s4 =	sld [smem:$0x3FD0];
	(tm) =	ssettm $0x1  }
0x93: {  	s5 =	sld [smem:$0x3FFB];
	_ =	sdelay $0x3  }
0x94: {  	_ =	strace s5  }
0x95: {  	s5 =	sld [smem:$0x3FFC];
	_ =	sdelay $0x3  }
0x96: {  	_ =	strace s5  }
0x97: {  	s5 =	sld [smem:$0x3FFD];
	_ =	sdelay $0x3  }
0x98: {  	_ =	strace s5  }
0x99: {  	_ =	strace $0x8FFFFFFF  }
0x9a: {  	s20 =	sld [smem:$0x3FDB];
	_ =	sdelay $0x1  }
0x9b: {  	s6 =	simm.s32 $_scs_section_size  }
0x9c: {  	s7 =	simm.s32 $_size__tile_overlayer_lowered;
	s8 =	simm.s32 $_tile_overlayer_lowered  }
0x9d: {  	s23 =	simm.s32 $0x1BFF;
	s22 =	sshll.u32 s8, $0x1;
	s5 =	sadd.s32 s6, s20  }
0x9e: {  	s9 =	simm.s32 $0x0;
	s21 =	sshll.u32 s7, $0x1;
	s7 =	sadd.s32 s22, s5  }
0x9f: {  	[timem:s9], [sflag:s23] =	dma.local [hbm:s7], s21  }
0xa0: {  	_ =	swait.ge [sflag:s23], s21  }
0xa1: {  	s6 =	ssub.s32 $0x0, s21;
	[sflag:s23] =	ssyncset.done $0x0  }
0xa2: {  	[sflag:s23] =	ssyncadd.s32 s6;
	_ =	sdelay $0x1  }
0xa3: {  	s24 =	simm.s32 $0x1B8B  }
0xa4: {  	_ =	swait.ge [sflag:s24], $0x1  }
0xa5: {  	[sflag:s24] =	ssyncset.done $0x0  }
0xa6: {  	s25 =	simm.s32 $0x1B8E;
	[sflag:s24] =	ssyncadd.s32 $0xFFFFFFFF  }
0xa7: {  	s26 =	simm.s32 $execute0_lowered;
	[smem:$0x3FD2] =	sst s25  }
0xa8: {  	s6 =	sshll.u32 s26, $0x1;
	_ =	strace $0x80000046;
	[dreg:$0x1] =	wrdreg $0xFFFFFFFF  }
0xa9: {  	s28 =	simm.s32 $_size_execute0_lowered;
	s5 =	sadd.s32 s5, s6;
	[dreg:$0x0] =	wrdreg $0x0  }
0xaa: {  	s6 =	sshll.u32 s28, $0x1;
	[dreg:$0x2] =	wrdreg s5  }
0xab: {  	[dreg:$0x3] =	wrdreg s6  }
0xac: {  	[dreg:$0x4] =	wrdreg $0xC0  }
0xad: {  	_ =	task [dreg:s9], $0x5FFFF  }
0xae: {  	[dreg:$0x1] =	wrdreg $0xFFFFFFFF  }
0xaf: {  	[dreg:$0x0] =	wrdreg $0x60  }
0xb0: {  	[dreg:$0x2] =	wrdreg s2  }
0xb1: {  	[dreg:$0x3] =	wrdreg s19  }
0xb2: {  	[dreg:$0x4] =	wrdreg s4  }
0xb3: {  	[dreg:$0x5] =	wrdreg $0x9  }
0xb4: {  	_ =	task.clear_ibuf [dreg:s9], $0x6FFFF;
	_ =	strace $0x90000046  }
0xb5: {  	s29 =	simm.s32 $0x9;
	_ =	strace $0x80000048  }
0xb6: {  	_ =	swait.ge [sflag:s29], $0x1  }
0xb7: {  	[sflag:s29] =	ssyncadd.s32 $0xFFFFFFFF  }
0xb8: {  	_ =	strace $0x90000048  }
0xb9: {  	_ =	sfence  }
0xba: {  	s30 =	sld [smem:$0x0];
	_ =	sdelay $0x2  }
0xbb: {  	s31 =	sshll.u32 s1, $0xD;
	s1 =	sshrl.u32 s1, $0x2  }
0xbc: {  	s3 =	sand.u32 $0x4000, s31;
	s1 =	sadd.s32 s1, s30  }
0xbd: {  	s0 =	sor.u32 s3, s0;
	s1 =	sshll.u32 s1, $0x11  }
0xbe: {  	s0 =	sor.u32 s1, s0  }
0xbf: {  	s0 =	sadd.s32 $0x8F2B, s0  }
0xc0: {  	[sflag:s0] =	ssyncadd.remote.s32 $0x1  }
0xc1: {  	_ =	sfence.sel $0xFFFF  }
0xc2: {  	[dreg:$0x0] =	wrdreg $0xFFFFFFFF;
	(pc) =	sbr.abs _section_cstart, $3  }
0xc3: {  	[dreg:$0x1] =	wrdreg $0xFFFFFFFF  }
0xc4: {  	_ =	task.clear_ibuf [dreg:s9], $0x2FFFF;
	_ =	strace $0x9FFFFFFF  }
0xc5: {  	(tm) =	ssettm $0x7FFFFFFF  }
tec
execute0_lowered:
.L_overlay_start_1:
0x0: {  	(tag) =	ssettag $0x1  }
0x1: {  	s4 =	rddreg [dreg:$0x0]  }
0x2: {  	s1 =	srdreg.scid;
	s2 =	rddreg [dreg:$0x1]  }
0x3: {  	s0 =	stileid.u32;
	s6 =	rddreg [dreg:$0x2];
	s16 =	simm.s32 $0xB  }
0x4: {  	s17 =	simm.s32 $0x80;
	s18 =	simm.s32 $0x6080;
	s19 =	simm.s32 $0xC080  }
0x5: {  	s20 =	simm.s32 $0x12080;
	s21 =	simm.s32 $0x18080;
	s28 =	simm.s32 $0x8  }
0x6: {  	s29 =	simm.s32 $0x4;
	s30 =	simm.s32 $0x9;
	s1 =	sand.u32 $0x1, s1  }
0x7: {  	s31 =	simm.s32 $0x5;
	s3 =	sshll.u32 s0, $0x8;
	s5 =	sshll.u32 s1, $0x7  }
0x8: {  	s1 =	ssub.s32 $0x2, s1;
	s5 =	sor.u32 s5, s3;
	s3 =	simm.s32 $0x0  }
0x9: {  	s24 =	sshrl.u32 s1, $0x1;
	s7 =	smul.u32 $0x180, s5;
	[smem:$0x7FF] =	sst s3  }
0xa: {  	s8 =	sshrl.u32 s5, $0x3;
	s5 =	smul.u32 $0xC00, s5;
	s1 =	ssub.s32 s1, s24  }
0xb: {  	s24 =	simm.s32 $0x2;
	s8 =	sadd.s32 s4, s8;
	s4 =	sadd.s32 s6, s7  }
0xc: {  	_ =	strace $0x80000047;
	[dreg:$0x4] =	wrdreg s8;
	s7 =	sadd.s32 $0xC00, s4  }
0xd: {  	s15 =	smax.u32 s1, $0x1;
	s22 =	sadd.s32 $0x1800, s4;
	[dreg:$0x5] =	wrdreg s7  }
0xe: {  	s1 =	simm.s32 $0xA;
	s23 =	sadd.s32 $0x2400, s4;
	[dreg:$0x6] =	wrdreg s22  }
0xf: {  	s5 =	sshrl.u32 s5, $0x3;
	s25 =	sadd.s32 $0x3000, s4;
	[dreg:$0x7] =	wrdreg s23  }
0x10: {  	s26 =	sadd.s32 $0x3C00, s4;
	s14 =	sadd.s32 s6, s5;
	[dreg:$0x8] =	wrdreg s25  }
0x11: {  	[dreg:$0x9] =	wrdreg s26;
	s5 =	sadd.s32 $0x4800, s14;
	s6 =	sadd.s32 $0x5400, s14  }
0x12: {  	s7 =	sadd.s32 $0x6000, s14;
	s8 =	sadd.s32 $0x6C00, s14;
	s9 =	sadd.s32 $0x7800, s14  }
0x13: {  	s10 =	sadd.s32 $0x8400, s14;
	s11 =	sadd.s32 $0x9000, s14;
	s12 =	sadd.s32 $0x9C00, s14  }
0x14: {  	s13 =	sadd.s32 $0xA800, s14;
	s14 =	sadd.s32 $0xB400, s14;
	s22 =	simm.s32 $0x1  }
0x15: {  	vm0 =	vmmov $0xff;
	v0 =	vlaneseq.u32;
	s23 =	simm.s32 $0x6;
	s25 =	simm.s32 $0x7;
	s26 =	simm.s32 $0x3  }
.LBB2_1:
0x16: {  	s0 =	rddreg [dreg:$0x4]  }
0x17: {  	[tilespmem:s3], [sflag:$0xB] =	stream.linear.gather [hbm4b:s0+s3], $0x80, $0x38;
	[tilespmem:$0x1E080] =	vst v63  }
0x18: {  	_ =	swait.ge [sflag:s16], $0x80  }
0x19: {  	[sflag:s16] =	ssyncset.done $0x0  }
0x1a: {  	[sflag:s16] =	ssyncadd.s32 $0xFFFFFF80  }
0x1b: {  	v1 =	vld.msk [tilespmem:$0x0], $0xff;
	_ =	sdelay $0x4  }
0x1c: {  	v1 =	vmul.u32 $0xC00, v1;
	_ =	sdelay $0x1  }
0x1d: {  	v1 =	vperm.xlane v1, v0;
	_ =	sdelay $0x5  }
0x1e: {  	[tilespmem:s17], [sflag:$0x1] =	stream.indirect_vreg.gather [hbm4b:s2+s3], $0xC00, v1, vm0, $0x38;
	[tilespmem:$0x1E080] =	vst v63  }
0x1f: {  	v1 =	vld.msk [tilespmem:$0x8], $0xff;
	_ =	sdelay $0x4  }
0x20: {  	v1 =	vmul.u32 $0xC00, v1;
	_ =	sdelay $0x1  }
0x21: {  	v1 =	vperm.xlane v1, v0;
	_ =	sdelay $0x5  }
0x22: {  	[tilespmem:s18], [sflag:$0x2] =	stream.indirect_vreg.gather [hbm4b:s2+s3], $0xC00, v1, vm0, $0x38;
	[tilespmem:$0x1E080] =	vst v63  }
0x23: {  	v1 =	vld.msk [tilespmem:$0x10], $0xff;
	_ =	sdelay $0x4  }
0x24: {  	v1 =	vmul.u32 $0xC00, v1;
	_ =	sdelay $0x1  }
0x25: {  	v1 =	vperm.xlane v1, v0;
	_ =	sdelay $0x5  }
0x26: {  	[tilespmem:s19], [sflag:$0x3] =	stream.indirect_vreg.gather [hbm4b:s2+s3], $0xC00, v1, vm0, $0x38;
	[tilespmem:$0x1E080] =	vst v63  }
0x27: {  	v1 =	vld.msk [tilespmem:$0x18], $0xff;
	_ =	sdelay $0x4  }
0x28: {  	v1 =	vmul.u32 $0xC00, v1;
	_ =	sdelay $0x1  }
0x29: {  	v1 =	vperm.xlane v1, v0;
	_ =	sdelay $0x5  }
0x2a: {  	[tilespmem:s20], [sflag:$0x4] =	stream.indirect_vreg.gather [hbm4b:s2+s3], $0xC00, v1, vm0, $0x38;
	[tilespmem:$0x1E080] =	vst v63  }
0x2b: {  	v1 =	vld.msk [tilespmem:$0x20], $0xff;
	_ =	sdelay $0x4  }
0x2c: {  	v1 =	vmul.u32 $0xC00, v1;
	_ =	sdelay $0x1  }
0x2d: {  	v1 =	vperm.xlane v1, v0;
	_ =	sdelay $0x5  }
0x2e: {  	[tilespmem:s21], [sflag:$0x5] =	stream.indirect_vreg.gather [hbm4b:s2+s3], $0xC00, v1, vm0, $0x38;
	[tilespmem:$0x1E080] =	vst v63  }
0x2f: {  	_ =	swait.ge [sflag:s22], $0x6000  }
0x30: {  	[sflag:s22] =	ssyncset.done $0x0  }
0x31: {  	[sflag:s22] =	ssyncadd.s32 $0xFFFFA000  }
0x32: {  	[hbm4b:s4+s3] =	stream.linear.scatter [tilespmem:s17], [sflag:$0x6], $0x6000, $0x38;
	[tilespmem:$0x1E080] =	vst v63  }
0x33: {  	_ =	swait.ge [sflag:s23], $0x6000  }
0x34: {  	[sflag:s23] =	ssyncset.done $0x0  }
0x35: {  	[sflag:s23] =	ssyncadd.s32 $0xFFFFA000  }
0x36: {  	v1 =	vld.msk [tilespmem:$0x28], $0xff;
	_ =	sdelay $0x4  }
0x37: {  	v1 =	vmul.u32 $0xC00, v1;
	_ =	sdelay $0x1  }
0x38: {  	v1 =	vperm.xlane v1, v0;
	_ =	sdelay $0x5  }
0x39: {  	[tilespmem:s17], [sflag:$0x1] =	stream.indirect_vreg.gather [hbm4b:s2+s3], $0xC00, v1, vm0, $0x38;
	[tilespmem:$0x1E080] =	vst v63  }
0x3a: {  	_ =	swait.ge [sflag:s24], $0x6000  }
0x3b: {  	[sflag:s24] =	ssyncset.done $0x0  }
0x3c: {  	s0 =	rddreg [dreg:$0x5];
	[sflag:s24] =	ssyncadd.s32 $0xFFFFA000  }
0x3d: {  	[hbm4b:s0+s3] =	stream.linear.scatter [tilespmem:s18], [sflag:$0x7], $0x6000, $0x38;
	[tilespmem:$0x1E080] =	vst v63  }
0x3e: {  	_ =	swait.ge [sflag:s25], $0x6000  }
0x3f: {  	[sflag:s25] =	ssyncset.done $0x0  }
0x40: {  	[sflag:s25] =	ssyncadd.s32 $0xFFFFA000  }
0x41: {  	v1 =	vld.msk [tilespmem:$0x30], $0xff;
	_ =	sdelay $0x4  }
0x42: {  	v1 =	vmul.u32 $0xC00, v1;
	_ =	sdelay $0x1  }
0x43: {  	v1 =	vperm.xlane v1, v0;
	_ =	sdelay $0x5  }
0x44: {  	[tilespmem:s18], [sflag:$0x2] =	stream.indirect_vreg.gather [hbm4b:s2+s3], $0xC00, v1, vm0, $0x38;
	[tilespmem:$0x1E080] =	vst v63  }
0x45: {  	_ =	swait.ge [sflag:s26], $0x6000  }
0x46: {  	[sflag:s26] =	ssyncset.done $0x0  }
0x47: {  	s0 =	rddreg [dreg:$0x6];
	[sflag:s26] =	ssyncadd.s32 $0xFFFFA000  }
0x48: {  	[hbm4b:s0+s3] =	stream.linear.scatter [tilespmem:s19], [sflag:$0x8], $0x6000, $0x38;
	[tilespmem:$0x1E080] =	vst v63  }
0x49: {  	_ =	swait.ge [sflag:s28], $0x6000  }
0x4a: {  	[sflag:s28] =	ssyncset.done $0x0  }
0x4b: {  	[sflag:s28] =	ssyncadd.s32 $0xFFFFA000  }
0x4c: {  	v1 =	vld.msk [tilespmem:$0x38], $0xff;
	_ =	sdelay $0x4  }
0x4d: {  	v1 =	vmul.u32 $0xC00, v1;
	_ =	sdelay $0x1  }
0x4e: {  	v1 =	vperm.xlane v1, v0;
	_ =	sdelay $0x5  }
0x4f: {  	[tilespmem:s19], [sflag:$0x3] =	stream.indirect_vreg.gather [hbm4b:s2+s3], $0xC00, v1, vm0, $0x38;
	[tilespmem:$0x1E080] =	vst v63  }
0x50: {  	_ =	swait.ge [sflag:s29], $0x6000  }
0x51: {  	[sflag:s29] =	ssyncset.done $0x0  }
0x52: {  	s0 =	rddreg [dreg:$0x7];
	[sflag:s29] =	ssyncadd.s32 $0xFFFFA000  }
0x53: {  	[hbm4b:s0+s3] =	stream.linear.scatter [tilespmem:s20], [sflag:$0x9], $0x6000, $0x38;
	[tilespmem:$0x1E080] =	vst v63  }
0x54: {  	_ =	swait.ge [sflag:s30], $0x6000  }
0x55: {  	[sflag:s30] =	ssyncset.done $0x0  }
0x56: {  	[sflag:s30] =	ssyncadd.s32 $0xFFFFA000  }
0x57: {  	v1 =	vld.msk [tilespmem:$0x40], $0xff;
	_ =	sdelay $0x4  }
0x58: {  	v1 =	vmul.u32 $0xC00, v1;
	_ =	sdelay $0x1  }
0x59: {  	v1 =	vperm.xlane v1, v0;
	_ =	sdelay $0x5  }
0x5a: {  	[tilespmem:s20], [sflag:$0x4] =	stream.indirect_vreg.gather [hbm4b:s2+s3], $0xC00, v1, vm0, $0x38;
	[tilespmem:$0x1E080] =	vst v63  }
0x5b: {  	_ =	swait.ge [sflag:s31], $0x6000  }
0x5c: {  	[sflag:s31] =	ssyncset.done $0x0  }
0x5d: {  	s0 =	rddreg [dreg:$0x8];
	[sflag:s31] =	ssyncadd.s32 $0xFFFFA000  }
0x5e: {  	[hbm4b:s0+s3] =	stream.linear.scatter [tilespmem:s21], [sflag:$0xA], $0x6000, $0x38;
	[tilespmem:$0x1E080] =	vst v63  }
0x5f: {  	_ =	swait.ge [sflag:s1], $0x6000  }
0x60: {  	[sflag:s1] =	ssyncset.done $0x0  }
0x61: {  	[sflag:s1] =	ssyncadd.s32 $0xFFFFA000  }
0x62: {  	v1 =	vld.msk [tilespmem:$0x48], $0xff;
	_ =	sdelay $0x4  }
0x63: {  	v1 =	vmul.u32 $0xC00, v1;
	_ =	sdelay $0x1  }
0x64: {  	v1 =	vperm.xlane v1, v0;
	_ =	sdelay $0x5  }
0x65: {  	[tilespmem:s21], [sflag:$0x5] =	stream.indirect_vreg.gather [hbm4b:s2+s3], $0xC00, v1, vm0, $0x38;
	[tilespmem:$0x1E080] =	vst v63  }
0x66: {  	_ =	swait.ge [sflag:s22], $0x6000  }
0x67: {  	[sflag:s22] =	ssyncset.done $0x0  }
0x68: {  	s0 =	rddreg [dreg:$0x9];
	[sflag:s22] =	ssyncadd.s32 $0xFFFFA000  }
0x69: {  	[hbm4b:s0+s3] =	stream.linear.scatter [tilespmem:s17], [sflag:$0x6], $0x6000, $0x38;
	[tilespmem:$0x1E080] =	vst v63  }
0x6a: {  	_ =	swait.ge [sflag:s23], $0x6000  }
0x6b: {  	[sflag:s23] =	ssyncset.done $0x0  }
0x6c: {  	[sflag:s23] =	ssyncadd.s32 $0xFFFFA000  }
0x6d: {  	v1 =	vld.msk [tilespmem:$0x50], $0xff;
	_ =	sdelay $0x4  }
0x6e: {  	v1 =	vmul.u32 $0xC00, v1;
	_ =	sdelay $0x1  }
0x6f: {  	v1 =	vperm.xlane v1, v0;
	_ =	sdelay $0x5  }
0x70: {  	[tilespmem:s17], [sflag:$0x1] =	stream.indirect_vreg.gather [hbm4b:s2+s3], $0xC00, v1, vm0, $0x38;
	[tilespmem:$0x1E080] =	vst v63  }
0x71: {  	_ =	swait.ge [sflag:s24], $0x6000  }
0x72: {  	[sflag:s24] =	ssyncset.done $0x0  }
0x73: {  	[sflag:s24] =	ssyncadd.s32 $0xFFFFA000  }
0x74: {  	[hbm4b:s5+s3] =	stream.linear.scatter [tilespmem:s18], [sflag:$0x7], $0x6000, $0x38;
	[tilespmem:$0x1E080] =	vst v63  }
0x75: {  	_ =	swait.ge [sflag:s25], $0x6000  }
0x76: {  	[sflag:s25] =	ssyncset.done $0x0  }
0x77: {  	[sflag:s25] =	ssyncadd.s32 $0xFFFFA000  }
0x78: {  	v1 =	vld.msk [tilespmem:$0x58], $0xff;
	_ =	sdelay $0x4  }
0x79: {  	v1 =	vmul.u32 $0xC00, v1;
	_ =	sdelay $0x1  }
0x7a: {  	v1 =	vperm.xlane v1, v0;
	_ =	sdelay $0x5  }
0x7b: {  	[tilespmem:s18], [sflag:$0x2] =	stream.indirect_vreg.gather [hbm4b:s2+s3], $0xC00, v1, vm0, $0x38;
	[tilespmem:$0x1E080] =	vst v63  }
0x7c: {  	_ =	swait.ge [sflag:s26], $0x6000  }
0x7d: {  	[sflag:s26] =	ssyncset.done $0x0  }
0x7e: {  	[sflag:s26] =	ssyncadd.s32 $0xFFFFA000  }
0x7f: {  	[hbm4b:s6+s3] =	stream.linear.scatter [tilespmem:s19], [sflag:$0x8], $0x6000, $0x38;
	[tilespmem:$0x1E080] =	vst v63  }
0x80: {  	_ =	swait.ge [sflag:s28], $0x6000  }
0x81: {  	[sflag:s28] =	ssyncset.done $0x0  }
0x82: {  	[sflag:s28] =	ssyncadd.s32 $0xFFFFA000  }
0x83: {  	v1 =	vld.msk [tilespmem:$0x60], $0xff;
	_ =	sdelay $0x4  }
0x84: {  	v1 =	vmul.u32 $0xC00, v1;
	_ =	sdelay $0x1  }
0x85: {  	v1 =	vperm.xlane v1, v0;
	_ =	sdelay $0x5  }
0x86: {  	[tilespmem:s19], [sflag:$0x3] =	stream.indirect_vreg.gather [hbm4b:s2+s3], $0xC00, v1, vm0, $0x38;
	[tilespmem:$0x1E080] =	vst v63  }
0x87: {  	_ =	swait.ge [sflag:s29], $0x6000  }
0x88: {  	[sflag:s29] =	ssyncset.done $0x0  }
0x89: {  	[sflag:s29] =	ssyncadd.s32 $0xFFFFA000  }
0x8a: {  	[hbm4b:s7+s3] =	stream.linear.scatter [tilespmem:s20], [sflag:$0x9], $0x6000, $0x38;
	[tilespmem:$0x1E080] =	vst v63  }
0x8b: {  	_ =	swait.ge [sflag:s30], $0x6000  }
0x8c: {  	[sflag:s30] =	ssyncset.done $0x0  }
0x8d: {  	[sflag:s30] =	ssyncadd.s32 $0xFFFFA000  }
0x8e: {  	v1 =	vld.msk [tilespmem:$0x68], $0xff;
	_ =	sdelay $0x4  }
0x8f: {  	v1 =	vmul.u32 $0xC00, v1;
	_ =	sdelay $0x1  }
0x90: {  	v1 =	vperm.xlane v1, v0;
	_ =	sdelay $0x5  }
0x91: {  	[tilespmem:s20], [sflag:$0x4] =	stream.indirect_vreg.gather [hbm4b:s2+s3], $0xC00, v1, vm0, $0x38;
	[tilespmem:$0x1E080] =	vst v63  }
0x92: {  	_ =	swait.ge [sflag:s31], $0x6000  }
0x93: {  	[sflag:s31] =	ssyncset.done $0x0  }
0x94: {  	[sflag:s31] =	ssyncadd.s32 $0xFFFFA000  }
0x95: {  	[hbm4b:s8+s3] =	stream.linear.scatter [tilespmem:s21], [sflag:$0xA], $0x6000, $0x38;
	[tilespmem:$0x1E080] =	vst v63  }
0x96: {  	_ =	swait.ge [sflag:s1], $0x6000  }
0x97: {  	[sflag:s1] =	ssyncset.done $0x0  }
0x98: {  	[sflag:s1] =	ssyncadd.s32 $0xFFFFA000  }
0x99: {  	v1 =	vld.msk [tilespmem:$0x70], $0xff;
	_ =	sdelay $0x4  }
0x9a: {  	v1 =	vmul.u32 $0xC00, v1;
	_ =	sdelay $0x1  }
0x9b: {  	v1 =	vperm.xlane v1, v0;
	_ =	sdelay $0x5  }
0x9c: {  	[tilespmem:s21], [sflag:$0x5] =	stream.indirect_vreg.gather [hbm4b:s2+s3], $0xC00, v1, vm0, $0x38;
	[tilespmem:$0x1E080] =	vst v63  }
0x9d: {  	_ =	swait.ge [sflag:s22], $0x6000  }
0x9e: {  	[sflag:s22] =	ssyncset.done $0x0  }
0x9f: {  	[sflag:s22] =	ssyncadd.s32 $0xFFFFA000  }
0xa0: {  	[hbm4b:s9+s3] =	stream.linear.scatter [tilespmem:s17], [sflag:$0x6], $0x6000, $0x38;
	[tilespmem:$0x1E080] =	vst v63  }
0xa1: {  	_ =	swait.ge [sflag:s23], $0x6000  }
0xa2: {  	[sflag:s23] =	ssyncset.done $0x0  }
0xa3: {  	[sflag:s23] =	ssyncadd.s32 $0xFFFFA000  }
0xa4: {  	v1 =	vld.msk [tilespmem:$0x78], $0xff;
	_ =	sdelay $0x4  }
0xa5: {  	v1 =	vmul.u32 $0xC00, v1;
	_ =	sdelay $0x1  }
0xa6: {  	v1 =	vperm.xlane v1, v0;
	_ =	sdelay $0x5  }
0xa7: {  	[tilespmem:s17], [sflag:$0x1] =	stream.indirect_vreg.gather [hbm4b:s2+s3], $0xC00, v1, vm0, $0x38;
	[tilespmem:$0x1E080] =	vst v63  }
0xa8: {  	_ =	swait.ge [sflag:s24], $0x6000  }
0xa9: {  	[sflag:s24] =	ssyncset.done $0x0  }
0xaa: {  	[sflag:s24] =	ssyncadd.s32 $0xFFFFA000  }
0xab: {  	[hbm4b:s10+s3] =	stream.linear.scatter [tilespmem:s18], [sflag:$0x7], $0x6000, $0x38;
	[tilespmem:$0x1E080] =	vst v63  }
0xac: {  	_ =	swait.ge [sflag:s26], $0x6000  }
0xad: {  	[sflag:s26] =	ssyncset.done $0x0  }
0xae: {  	[sflag:s26] =	ssyncadd.s32 $0xFFFFA000  }
0xaf: {  	[hbm4b:s11+s3] =	stream.linear.scatter [tilespmem:s19], [sflag:$0x8], $0x6000, $0x38;
	[tilespmem:$0x1E080] =	vst v63  }
0xb0: {  	_ =	swait.ge [sflag:s29], $0x6000  }
0xb1: {  	[sflag:s29] =	ssyncset.done $0x0  }
0xb2: {  	[sflag:s29] =	ssyncadd.s32 $0xFFFFA000  }
0xb3: {  	[hbm4b:s12+s3] =	stream.linear.scatter [tilespmem:s20], [sflag:$0x9], $0x6000, $0x38;
	[tilespmem:$0x1E080] =	vst v63  }
0xb4: {  	_ =	swait.ge [sflag:s31], $0x6000  }
0xb5: {  	[sflag:s31] =	ssyncset.done $0x0  }
0xb6: {  	[sflag:s31] =	ssyncadd.s32 $0xFFFFA000  }
0xb7: {  	[hbm4b:s13+s3] =	stream.linear.scatter [tilespmem:s21], [sflag:$0xA], $0x6000, $0x38;
	[tilespmem:$0x1E080] =	vst v63  }
0xb8: {  	_ =	swait.ge [sflag:s22], $0x6000  }
0xb9: {  	[sflag:s22] =	ssyncset.done $0x0  }
0xba: {  	[sflag:s22] =	ssyncadd.s32 $0xFFFFA000  }
0xbb: {  	[hbm4b:s14+s3] =	stream.linear.scatter [tilespmem:s17], [sflag:$0x6], $0x6000, $0x38;
	[tilespmem:$0x1E080] =	vst v63  }
0xbc: {  	_ =	swait.ge [sflag:s25], $0x6000  }
0xbd: {  	[sflag:s25] =	ssyncset.done $0x0  }
0xbe: {  	[sflag:s25] =	ssyncadd.s32 $0xFFFFA000  }
0xbf: {  	_ =	swait.ge [sflag:s28], $0x6000  }
0xc0: {  	[sflag:s28] =	ssyncset.done $0x0  }
0xc1: {  	[sflag:s28] =	ssyncadd.s32 $0xFFFFA000  }
0xc2: {  	_ =	swait.ge [sflag:s30], $0x6000  }
0xc3: {  	[sflag:s30] =	ssyncset.done $0x0  }
0xc4: {  	[sflag:s30] =	ssyncadd.s32 $0xFFFFA000  }
0xc5: {  	p0 =	sne.s32 s15, $0x1;
	_ =	swait.ge [sflag:s1], $0x6000  }
.Ltmp0:
0xc6: {  	[sflag:s1] =	ssyncset.done $0x0;
	(pc) =	sbr.rel @p0 .LBB2_1-.Ltmp0, $4  }
0xc7: {  	[sflag:s1] =	ssyncadd.s32 $0xFFFFA000  }
0xc8: {  	_ =	swait.ge [sflag:s23], $0x6000  }
0xc9: {  	[sflag:s23] =	ssyncset.done $0x0  }
0xca: {  	s15 =	sadd.s32 $0xFFFFFFFF, s15;
	[sflag:s23] =	ssyncadd.s32 $0xFFFFA000  }
0xcb: {  	_ =	sfence.sel $0x180000  }
0xcc: {  	[bflag:$0x0] =	sbarrier.arrive $0xFFFF  }
0xcd: {  	_ =	strace $0x90000047  }
0xce: {  	s0 =	stileid.u32;
	[bflag:$0x2] =	sbarrier.arrive $0xFFFF  }
0xcf: {  	p0 =	sne.s32 s0, $0x0;
	s0 =	rddreg [dreg:$0x3]  }
0xd0: {  	s0 =	sadd.s32 @!p0 $0x100000, s0  }
0xd1: {  	[sflag:s0] =	ssyncadd.tile.s32 @!p0 $0x1;
	_ =	shalt  }
.Lfunc_end2:
_tile_overlayer_lowered:
.L_overlay_start_2:
0xd2: {  	(tag) =	ssettag $0x2  }
0xd3: {  	s0 =	rddreg [dreg:$0x0];
	s2 =	stileid.u32  }
0xd4: {  	s1 =	rddreg [dreg:$0x1];
	p0 =	sne.s32 s2, $0x0  }
0xd5: {  	s3 =	rddreg [dreg:$0x2];
	[bflag:$0x3] =	sbarrier.arrive $0xFFFF;
	s2 =	simm.s32 @!p0 $0x1C0B  }
0xd6: {  	[timem:s3], [sflag:s2] =	dma.local @!p0 [hbm:s0], s1  }
0xd7: {  	s0 =	simm.s32 @!p0 $0xB  }
0xd8: {  	_ =	swait.ge @!p0 [sflag:s0], s1  }
0xd9: {  	s1 =	ssub.s32 @!p0 $0x0, s1;
	[sflag:s0] =	ssyncset.done @!p0 $0x0  }
0xda: {  	[sflag:s0] =	ssyncadd.s32 @!p0 s1  }
0xdb: {  	[bflag:$0x3] =	sbarrier.arrive $0xFFFF  }
0xdc: {  	_ =	shalt  }

</sc_bundles>
